<compile_context>
chip_gen: v7x
topology: tpu7x:2x2x1
jax: 0.10.2.dev20260603
libtpu: 0.0.44.dev20260713+nightly
codegen_flags: <defaults>
</compile_context>

<pallas_src>
import functools

import jax
import jax.numpy as jnp
from jax import lax
from jax.experimental import pallas as pl
from jax.experimental.pallas import tpu as pltpu
from jax.experimental.pallas import tpu_sc as plsc


def kernel(x):
    B, S, F = x.shape
    C = F // 4
    info = plsc.get_sparse_core_info()
    NW = info.num_cores * info.num_subcores
    bpw = B // NW

    xt = jnp.transpose(x, (1, 0, 2))
    mesh = plsc.VectorSubcoreMesh(core_axis_name="c", subcore_axis_name="s")
    out_t = tuple(jax.ShapeDtypeStruct((S, C, B), x.dtype) for _ in range(4))

    @functools.partial(
        pl.kernel,
        mesh=mesh,
        out_type=out_t,
        scratch_types=[pltpu.VMEM((1, bpw, F), jnp.float32)] * 2
        + [pltpu.VMEM((1, C, bpw), jnp.float32)] * 8
        + [pltpu.SemaphoreType.DMA] * 4,
        compiler_params=pltpu.CompilerParams(needs_layout_passes=False),
    )
    def run(x_hbm, m_hbm, t_hbm, v_hbm, s_hbm, *scr):
        ibufs = scr[0:2]
        obufs = (scr[2:6], scr[6:10])
        isems = scr[10:12]
        osems = scr[12:14]
        outs = (m_hbm, t_hbm, v_hbm, s_hbm)
        wid = lax.axis_index("s") * info.num_cores + lax.axis_index("c")
        b0 = wid * bpw

        def in_cp(i, p):
            return pltpu.make_async_copy(
                x_hbm.at[pl.ds(i, 1), pl.ds(b0, bpw)], ibufs[p], isems[p]
            )

        def out_cp(i, p, j):
            return pltpu.make_async_copy(
                obufs[p][j],
                outs[j].at[pl.ds(i, 1), :, pl.ds(b0, bpw)],
                osems[p],
            )

        zero16 = lax.iota(jnp.int32, 16) * 0
        half = (lax.iota(jnp.int32, 16), lax.iota(jnp.int32, 16) + 16)

        def fill(p):
            ib = ibufs[p]
            ob = obufs[p]

            def row(b, _):
                bvec = zero16 + b
                for k in range(8):
                    v = ib[0, b, pl.ds(16 * k, 16)]
                    plsc.store_scatter(
                        ob[k // 2], [zero16, half[k % 2], bvec], v
                    )
                return 0

            lax.fori_loop(0, bpw, row, 0, unroll=2)

        def step(i, p, first, last):
            if not last:
                in_cp(i + 1, 1 - p).start()
            in_cp(i, p).wait()
            if not first:
                for j in range(4):
                    out_cp(i - 2, p, j).wait()
            fill(p)
            for j in range(4):
                out_cp(i, p, j).start()

        in_cp(0, 0).start()
        step(0, 0, True, False)
        step(1, 1, True, False)

        def body(io2, _):
            i = io2 * 2
            step(i, 0, False, False)
            step(i + 1, 1, False, False)
            return 0

        lax.fori_loop(1, S // 2 - 1, body, 0)
        step(S - 2, 0, False, False)
        step(S - 1, 1, False, True)
        for j in range(4):
            out_cp(S - 2, 0, j).wait()
            out_cp(S - 1, 1, j).wait()

    outs = run(xt)
    return tuple(jnp.transpose(o, (2, 0, 1)) for o in outs)

# --- scband reference (transcript-rebuilt; emitter-appended) ---
"""Pipeline reference for scband-montreal-36842229465453 (READ-ONLY COPY).

The authoritative reference and input builder live on the scoring server;
editing this copy changes nothing except your own understanding.
"""

import jax, jax.numpy as jnp
import numpy as np

MOM_IDX = jnp.arange(0, 32, dtype=jnp.int32)
TRE_IDX = jnp.arange(32, 64, dtype=jnp.int32)
VOL_IDX = jnp.arange(64, 96, dtype=jnp.int32)
SMO_IDX = jnp.arange(96, 128, dtype=jnp.int32)


def setup_inputs(seed: int = 0) -> dict:
    key = jax.random.key(seed)
    x = jax.random.normal(key, (4096, 50, 128), dtype=jnp.float32)
    return {"x": x}


def reference(x):
    # Faithful translation of Montreal.split_data: index_select along dim 2
    m = jnp.take(x, MOM_IDX, axis=2)
    t = jnp.take(x, TRE_IDX, axis=2)
    v = jnp.take(x, VOL_IDX, axis=2)
    s = jnp.take(x, SMO_IDX, axis=2)
    return (m, t, v, s)

if __name__ == "__main__":
    import jax
    _d = setup_inputs()
    print(jax.jit(kernel)(*tuple(_d.values())))

</pallas_src>

<mosaic_0001>
#map = affine_map<(d0, d1) -> (0, 0, 0)>
module attributes {stable_mosaic.version = 14 : i64} {
  func.func @run(%arg0: i32, %arg1: i32, %arg2: memref<50x4096x128xf32, #tpu.memory_space<hbm>>, %arg3: memref<50x32x4096xf32, #tpu.memory_space<hbm>>, %arg4: memref<50x32x4096xf32, #tpu.memory_space<hbm>>, %arg5: memref<50x32x4096xf32, #tpu.memory_space<hbm>>, %arg6: memref<50x32x4096xf32, #tpu.memory_space<hbm>>, %arg7: memref<1x128x128xf32, #tpu.memory_space<vmem>>, %arg8: memref<1x128x128xf32, #tpu.memory_space<vmem>>, %arg9: memref<1x32x128xf32, #tpu.memory_space<vmem>>, %arg10: memref<1x32x128xf32, #tpu.memory_space<vmem>>, %arg11: memref<1x32x128xf32, #tpu.memory_space<vmem>>, %arg12: memref<1x32x128xf32, #tpu.memory_space<vmem>>, %arg13: memref<1x32x128xf32, #tpu.memory_space<vmem>>, %arg14: memref<1x32x128xf32, #tpu.memory_space<vmem>>, %arg15: memref<1x32x128xf32, #tpu.memory_space<vmem>>, %arg16: memref<1x32x128xf32, #tpu.memory_space<vmem>>, %arg17: memref<!tpu.dma_semaphore, #tpu.memory_space<semaphore_mem>>, %arg18: memref<!tpu.dma_semaphore, #tpu.memory_space<semaphore_mem>>, %arg19: memref<!tpu.dma_semaphore, #tpu.memory_space<semaphore_mem>>, %arg20: memref<!tpu.dma_semaphore, #tpu.memory_space<semaphore_mem>>) attributes {dimension_semantics = [#tpu.dimension_semantics<core_parallel>, #tpu.dimension_semantics<subcore_parallel>], iteration_bounds = array<i64: 2, 16>, scalar_prefetch = 0 : i64, scratch_operands = 14 : i64, tpu.core_type = #tpu.core_type<sc_vector_subcore>, window_params = [{transform_indices = #map}, {transform_indices = #map}, {transform_indices = #map}, {transform_indices = #map}, {transform_indices = #map}]} {
    %mul3A = arith.constant 2 : i32
    %mul3A_0 = arith.muli %arg1, %mul3A : i32
    %add3A = arith.addi %mul3A_0, %arg0 : i32
    %mul3A_1 = arith.constant 128 : i32
    %mul3A_2 = arith.muli %add3A, %mul3A_1 : i32
    %iota3A = tpu.iota {dimensions = array<i32: 0>} : vector<16xi32>
    %mul3A_3 = arith.constant 0 : i32
    %mul3A_4 = vector.broadcast %mul3A_3 : i32 to vector<16xi32>
    %mul3A_5 = arith.muli %iota3A, %mul3A_4 : vector<16xi32>
    %iota3A_6 = tpu.iota {dimensions = array<i32: 0>} : vector<16xi32>
    %iota3A_7 = tpu.iota {dimensions = array<i32: 0>} : vector<16xi32>
    %add3A_8 = arith.constant 16 : i32
    %add3A_9 = vector.broadcast %add3A_8 : i32 to vector<16xi32>
    %add3A_10 = arith.addi %iota3A_7, %add3A_9 : vector<16xi32>
    %dma_start3A = arith.constant 0 : i32
    %dma_start3A_11 = arith.constant 0 : i32
    %dma_start3A_12 = tpu.memref_slice %arg2[%dma_start3A, %mul3A_2, %dma_start3A_11] : memref<50x4096x128xf32, #tpu.memory_space<hbm>> -> memref<1x128x128xf32, #tpu.memory_space<hbm>>
    %dma_start3A_13 = arith.constant 0 : i32
    %dma_start3A_14 = arith.constant 0 : i32
    %dma_start3A_15 = tpu.memref_slice %arg2[%dma_start3A_13, %mul3A_2, %dma_start3A_14] : memref<50x4096x128xf32, #tpu.memory_space<hbm>> -> memref<1x128x128xf32, #tpu.memory_space<hbm>>
    tpu.enqueue_dma source(%dma_start3A_15 : memref<1x128x128xf32, #tpu.memory_space<hbm>>) target(%arg7 : memref<1x128x128xf32, #tpu.memory_space<vmem>>) target_semaphore(%arg17 : memref<!tpu.dma_semaphore, #tpu.memory_space<semaphore_mem>>)
    %dma_start3A_16 = arith.constant 1 : i32
    %dma_start3A_17 = arith.constant 0 : i32
    %dma_start3A_18 = tpu.memref_slice %arg2[%dma_start3A_16, %mul3A_2, %dma_start3A_17] : memref<50x4096x128xf32, #tpu.memory_space<hbm>> -> memref<1x128x128xf32, #tpu.memory_space<hbm>>
    %dma_start3A_19 = arith.constant 1 : i32
    %dma_start3A_20 = arith.constant 0 : i32
    %dma_start3A_21 = tpu.memref_slice %arg2[%dma_start3A_19, %mul3A_2, %dma_start3A_20] : memref<50x4096x128xf32, #tpu.memory_space<hbm>> -> memref<1x128x128xf32, #tpu.memory_space<hbm>>
    tpu.enqueue_dma source(%dma_start3A_21 : memref<1x128x128xf32, #tpu.memory_space<hbm>>) target(%arg8 : memref<1x128x128xf32, #tpu.memory_space<vmem>>) target_semaphore(%arg18 : memref<!tpu.dma_semaphore, #tpu.memory_space<semaphore_mem>>)
    %dma_wait3A = arith.constant 0 : i32
    %dma_wait3A_22 = arith.constant 0 : i32
    %dma_wait3A_23 = tpu.memref_slice %arg2[%dma_wait3A, %mul3A_2, %dma_wait3A_22] : memref<50x4096x128xf32, #tpu.memory_space<hbm>> -> memref<1x128x128xf32, #tpu.memory_space<hbm>>
    %dma_wait3A_24 = arith.constant 0 : i32
    %dma_wait3A_25 = arith.constant 0 : i32
    %dma_wait3A_26 = tpu.memref_slice %arg2[%dma_wait3A_24, %mul3A_2, %dma_wait3A_25] : memref<50x4096x128xf32, #tpu.memory_space<hbm>> -> memref<1x128x128xf32, #tpu.memory_space<hbm>>
    tpu.wait_dma2 semaphore(%arg17 : memref<!tpu.dma_semaphore, #tpu.memory_space<semaphore_mem>>) src(%dma_wait3A_26 : memref<1x128x128xf32, #tpu.memory_space<hbm>>) dst(%arg7 : memref<1x128x128xf32, #tpu.memory_space<vmem>>)
    %scan3A = arith.constant 0 : i32
    %scan3A_27 = arith.constant 0 : i32
    %scan3A_28 = arith.constant 128 : i32
    %scan3A_29 = arith.addi %scan3A_27, %scan3A_28 : i32
    %scan3A_30 = arith.constant 2 : i32
    %scan3A_31 = scf.for %scan3A_283 = %scan3A_27 to %scan3A_29 step %scan3A_30 iter_args(%scan3A_284 = %scan3A) -> (i32)  : i32 {
      %add3A_285 = vector.broadcast %scan3A_283 : i32 to vector<16xi32>
      %add3A_286 = arith.addi %mul3A_5, %add3A_285 : vector<16xi32>
      %get3A = arith.constant 0 : i32
      %get3A_287 = arith.index_cast %get3A : i32 to index
      %get3A_288 = arith.index_cast %scan3A_283 : i32 to index
      %get3A_289 = arith.constant 0 : index
      %get3A_290 = tpu.vector_load %arg7[%get3A_287, %get3A_288, %get3A_289] {strides = array<i32>} : memref<1x128x128xf32, #tpu.memory_space<vmem>>, vector<16xf32>,
      tpu.vector_store_idx %arg9[%mul3A_5, %iota3A_6, %add3A_286], %get3A_290 : memref<1x32x128xf32, #tpu.memory_space<vmem>>[vector<16xi32>, vector<16xi32>, vector<16xi32>], vector<16xf32>,
      %get3A_291 = arith.constant 0 : i32
      %get3A_292 = arith.index_cast %get3A_291 : i32 to index
      %get3A_293 = arith.index_cast %scan3A_283 : i32 to index
      %get3A_294 = arith.constant 16 : index
      %get3A_295 = tpu.vector_load %arg7[%get3A_292, %get3A_293, %get3A_294] {strides = array<i32>} : memref<1x128x128xf32, #tpu.memory_space<vmem>>, vector<16xf32>,
      tpu.vector_store_idx %arg9[%mul3A_5, %add3A_10, %add3A_286], %get3A_295 : memref<1x32x128xf32, #tpu.memory_space<vmem>>[vector<16xi32>, vector<16xi32>, vector<16xi32>], vector<16xf32>,
      %get3A_296 = arith.constant 0 : i32
      %get3A_297 = arith.index_cast %get3A_296 : i32 to index
      %get3A_298 = arith.index_cast %scan3A_283 : i32 to index
      %get3A_299 = arith.constant 32 : index
      %get3A_300 = tpu.vector_load %arg7[%get3A_297, %get3A_298, %get3A_299] {strides = array<i32>} : memref<1x128x128xf32, #tpu.memory_space<vmem>>, vector<16xf32>,
      tpu.vector_store_idx %arg10[%mul3A_5, %iota3A_6, %add3A_286], %get3A_300 : memref<1x32x128xf32, #tpu.memory_space<vmem>>[vector<16xi32>, vector<16xi32>, vector<16xi32>], vector<16xf32>,
      %get3A_301 = arith.constant 0 : i32
      %get3A_302 = arith.index_cast %get3A_301 : i32 to index
      %get3A_303 = arith.index_cast %scan3A_283 : i32 to index
      %get3A_304 = arith.constant 48 : index
      %get3A_305 = tpu.vector_load %arg7[%get3A_302, %get3A_303, %get3A_304] {strides = array<i32>} : memref<1x128x128xf32, #tpu.memory_space<vmem>>, vector<16xf32>,
      tpu.vector_store_idx %arg10[%mul3A_5, %add3A_10, %add3A_286], %get3A_305 : memref<1x32x128xf32, #tpu.memory_space<vmem>>[vector<16xi32>, vector<16xi32>, vector<16xi32>], vector<16xf32>,
      %get3A_306 = arith.constant 0 : i32
      %get3A_307 = arith.index_cast %get3A_306 : i32 to index
      %get3A_308 = arith.index_cast %scan3A_283 : i32 to index
      %get3A_309 = arith.constant 64 : index
      %get3A_310 = tpu.vector_load %arg7[%get3A_307, %get3A_308, %get3A_309] {strides = array<i32>} : memref<1x128x128xf32, #tpu.memory_space<vmem>>, vector<16xf32>,
      tpu.vector_store_idx %arg11[%mul3A_5, %iota3A_6, %add3A_286], %get3A_310 : memref<1x32x128xf32, #tpu.memory_space<vmem>>[vector<16xi32>, vector<16xi32>, vector<16xi32>], vector<16xf32>,
      %get3A_311 = arith.constant 0 : i32
      %get3A_312 = arith.index_cast %get3A_311 : i32 to index
      %get3A_313 = arith.index_cast %scan3A_283 : i32 to index
      %get3A_314 = arith.constant 80 : index
      %get3A_315 = tpu.vector_load %arg7[%get3A_312, %get3A_313, %get3A_314] {strides = array<i32>} : memref<1x128x128xf32, #tpu.memory_space<vmem>>, vector<16xf32>,
      tpu.vector_store_idx %arg11[%mul3A_5, %add3A_10, %add3A_286], %get3A_315 : memref<1x32x128xf32, #tpu.memory_space<vmem>>[vector<16xi32>, vector<16xi32>, vector<16xi32>], vector<16xf32>,
      %get3A_316 = arith.constant 0 : i32
      %get3A_317 = arith.index_cast %get3A_316 : i32 to index
      %get3A_318 = arith.index_cast %scan3A_283 : i32 to index
      %get3A_319 = arith.constant 96 : index
      %get3A_320 = tpu.vector_load %arg7[%get3A_317, %get3A_318, %get3A_319] {strides = array<i32>} : memref<1x128x128xf32, #tpu.memory_space<vmem>>, vector<16xf32>,
      tpu.vector_store_idx %arg12[%mul3A_5, %iota3A_6, %add3A_286], %get3A_320 : memref<1x32x128xf32, #tpu.memory_space<vmem>>[vector<16xi32>, vector<16xi32>, vector<16xi32>], vector<16xf32>,
      %get3A_321 = arith.constant 0 : i32
      %get3A_322 = arith.index_cast %get3A_321 : i32 to index
      %get3A_323 = arith.index_cast %scan3A_283 : i32 to index
      %get3A_324 = arith.constant 112 : index
      %get3A_325 = tpu.vector_load %arg7[%get3A_322, %get3A_323, %get3A_324] {strides = array<i32>} : memref<1x128x128xf32, #tpu.memory_space<vmem>>, vector<16xf32>,
      tpu.vector_store_idx %arg12[%mul3A_5, %add3A_10, %add3A_286], %get3A_325 : memref<1x32x128xf32, #tpu.memory_space<vmem>>[vector<16xi32>, vector<16xi32>, vector<16xi32>], vector<16xf32>,
      %scan3A_326 = arith.constant 0 : i32
      %scan3A_327 = arith.constant 1 : i32
      %scan3A_328 = arith.addi %scan3A_283, %scan3A_327 : i32
      %add3A_329 = vector.broadcast %scan3A_328 : i32 to vector<16xi32>
      %add3A_330 = arith.addi %mul3A_5, %add3A_329 : vector<16xi32>
      %get3A_331 = arith.constant 0 : i32
      %get3A_332 = arith.index_cast %get3A_331 : i32 to index
      %get3A_333 = arith.index_cast %scan3A_328 : i32 to index
      %get3A_334 = arith.constant 0 : index
      %get3A_335 = tpu.vector_load %arg7[%get3A_332, %get3A_333, %get3A_334] {strides = array<i32>} : memref<1x128x128xf32, #tpu.memory_space<vmem>>, vector<16xf32>,
      tpu.vector_store_idx %arg9[%mul3A_5, %iota3A_6, %add3A_330], %get3A_335 : memref<1x32x128xf32, #tpu.memory_space<vmem>>[vector<16xi32>, vector<16xi32>, vector<16xi32>], vector<16xf32>,
      %get3A_336 = arith.constant 0 : i32
      %get3A_337 = arith.index_cast %get3A_336 : i32 to index
      %get3A_338 = arith.index_cast %scan3A_328 : i32 to index
      %get3A_339 = arith.constant 16 : index
      %get3A_340 = tpu.vector_load %arg7[%get3A_337, %get3A_338, %get3A_339] {strides = array<i32>} : memref<1x128x128xf32, #tpu.memory_space<vmem>>, vector<16xf32>,
      tpu.vector_store_idx %arg9[%mul3A_5, %add3A_10, %add3A_330], %get3A_340 : memref<1x32x128xf32, #tpu.memory_space<vmem>>[vector<16xi32>, vector<16xi32>, vector<16xi32>], vector<16xf32>,
      %get3A_341 = arith.constant 0 : i32
      %get3A_342 = arith.index_cast %get3A_341 : i32 to index
      %get3A_343 = arith.index_cast %scan3A_328 : i32 to index
      %get3A_344 = arith.constant 32 : index
      %get3A_345 = tpu.vector_load %arg7[%get3A_342, %get3A_343, %get3A_344] {strides = array<i32>} : memref<1x128x128xf32, #tpu.memory_space<vmem>>, vector<16xf32>,
      tpu.vector_store_idx %arg10[%mul3A_5, %iota3A_6, %add3A_330], %get3A_345 : memref<1x32x128xf32, #tpu.memory_space<vmem>>[vector<16xi32>, vector<16xi32>, vector<16xi32>], vector<16xf32>,
      %get3A_346 = arith.constant 0 : i32
      %get3A_347 = arith.index_cast %get3A_346 : i32 to index
      %get3A_348 = arith.index_cast %scan3A_328 : i32 to index
      %get3A_349 = arith.constant 48 : index
      %get3A_350 = tpu.vector_load %arg7[%get3A_347, %get3A_348, %get3A_349] {strides = array<i32>} : memref<1x128x128xf32, #tpu.memory_space<vmem>>, vector<16xf32>,
      tpu.vector_store_idx %arg10[%mul3A_5, %add3A_10, %add3A_330], %get3A_350 : memref<1x32x128xf32, #tpu.memory_space<vmem>>[vector<16xi32>, vector<16xi32>, vector<16xi32>], vector<16xf32>,
      %get3A_351 = arith.constant 0 : i32
      %get3A_352 = arith.index_cast %get3A_351 : i32 to index
      %get3A_353 = arith.index_cast %scan3A_328 : i32 to index
      %get3A_354 = arith.constant 64 : index
      %get3A_355 = tpu.vector_load %arg7[%get3A_352, %get3A_353, %get3A_354] {strides = array<i32>} : memref<1x128x128xf32, #tpu.memory_space<vmem>>, vector<16xf32>,
      tpu.vector_store_idx %arg11[%mul3A_5, %iota3A_6, %add3A_330], %get3A_355 : memref<1x32x128xf32, #tpu.memory_space<vmem>>[vector<16xi32>, vector<16xi32>, vector<16xi32>], vector<16xf32>,
      %get3A_356 = arith.constant 0 : i32
      %get3A_357 = arith.index_cast %get3A_356 : i32 to index
      %get3A_358 = arith.index_cast %scan3A_328 : i32 to index
      %get3A_359 = arith.constant 80 : index
      %get3A_360 = tpu.vector_load %arg7[%get3A_357, %get3A_358, %get3A_359] {strides = array<i32>} : memref<1x128x128xf32, #tpu.memory_space<vmem>>, vector<16xf32>,
      tpu.vector_store_idx %arg11[%mul3A_5, %add3A_10, %add3A_330], %get3A_360 : memref<1x32x128xf32, #tpu.memory_space<vmem>>[vector<16xi32>, vector<16xi32>, vector<16xi32>], vector<16xf32>,
      %get3A_361 = arith.constant 0 : i32
      %get3A_362 = arith.index_cast %get3A_361 : i32 to index
      %get3A_363 = arith.index_cast %scan3A_328 : i32 to index
      %get3A_364 = arith.constant 96 : index
      %get3A_365 = tpu.vector_load %arg7[%get3A_362, %get3A_363, %get3A_364] {strides = array<i32>} : memref<1x128x128xf32, #tpu.memory_space<vmem>>, vector<16xf32>,
      tpu.vector_store_idx %arg12[%mul3A_5, %iota3A_6, %add3A_330], %get3A_365 : memref<1x32x128xf32, #tpu.memory_space<vmem>>[vector<16xi32>, vector<16xi32>, vector<16xi32>], vector<16xf32>,
      %get3A_366 = arith.constant 0 : i32
      %get3A_367 = arith.index_cast %get3A_366 : i32 to index
      %get3A_368 = arith.index_cast %scan3A_328 : i32 to index
      %get3A_369 = arith.constant 112 : index
      %get3A_370 = tpu.vector_load %arg7[%get3A_367, %get3A_368, %get3A_369] {strides = array<i32>} : memref<1x128x128xf32, #tpu.memory_space<vmem>>, vector<16xf32>,
      tpu.vector_store_idx %arg12[%mul3A_5, %add3A_10, %add3A_330], %get3A_370 : memref<1x32x128xf32, #tpu.memory_space<vmem>>[vector<16xi32>, vector<16xi32>, vector<16xi32>], vector<16xf32>,
      %scan3A_371 = arith.constant 0 : i32
      scf.yield %scan3A_371 : i32
    }
    %scan3A_32 = arith.constant 128 : i32
    %dma_start3A_33 = arith.constant 0 : i32
    %dma_start3A_34 = arith.constant 0 : i32
    %dma_start3A_35 = tpu.memref_slice %arg3[%dma_start3A_33, %dma_start3A_34, %mul3A_2] : memref<50x32x4096xf32, #tpu.memory_space<hbm>> -> memref<1x32x128xf32, #tpu.memory_space<hbm>>
    %dma_start3A_36 = arith.constant 0 : i32
    %dma_start3A_37 = arith.constant 0 : i32
    %dma_start3A_38 = tpu.memref_slice %arg3[%dma_start3A_36, %dma_start3A_37, %mul3A_2] : memref<50x32x4096xf32, #tpu.memory_space<hbm>> -> memref<1x32x128xf32, #tpu.memory_space<hbm>>
    tpu.enqueue_dma source(%arg9 : memref<1x32x128xf32, #tpu.memory_space<vmem>>) target(%dma_start3A_38 : memref<1x32x128xf32, #tpu.memory_space<hbm>>) target_semaphore(%arg19 : memref<!tpu.dma_semaphore, #tpu.memory_space<semaphore_mem>>)
    %dma_start3A_39 = arith.constant 0 : i32
    %dma_start3A_40 = arith.constant 0 : i32
    %dma_start3A_41 = tpu.memref_slice %arg4[%dma_start3A_39, %dma_start3A_40, %mul3A_2] : memref<50x32x4096xf32, #tpu.memory_space<hbm>> -> memref<1x32x128xf32, #tpu.memory_space<hbm>>
    %dma_start3A_42 = arith.constant 0 : i32
    %dma_start3A_43 = arith.constant 0 : i32
    %dma_start3A_44 = tpu.memref_slice %arg4[%dma_start3A_42, %dma_start3A_43, %mul3A_2] : memref<50x32x4096xf32, #tpu.memory_space<hbm>> -> memref<1x32x128xf32, #tpu.memory_space<hbm>>
    tpu.enqueue_dma source(%arg10 : memref<1x32x128xf32, #tpu.memory_space<vmem>>) target(%dma_start3A_44 : memref<1x32x128xf32, #tpu.memory_space<hbm>>) target_semaphore(%arg19 : memref<!tpu.dma_semaphore, #tpu.memory_space<semaphore_mem>>)
    %dma_start3A_45 = arith.constant 0 : i32
    %dma_start3A_46 = arith.constant 0 : i32
    %dma_start3A_47 = tpu.memref_slice %arg5[%dma_start3A_45, %dma_start3A_46, %mul3A_2] : memref<50x32x4096xf32, #tpu.memory_space<hbm>> -> memref<1x32x128xf32, #tpu.memory_space<hbm>>
    %dma_start3A_48 = arith.constant 0 : i32
    %dma_start3A_49 = arith.constant 0 : i32
    %dma_start3A_50 = tpu.memref_slice %arg5[%dma_start3A_48, %dma_start3A_49, %mul3A_2] : memref<50x32x4096xf32, #tpu.memory_space<hbm>> -> memref<1x32x128xf32, #tpu.memory_space<hbm>>
    tpu.enqueue_dma source(%arg11 : memref<1x32x128xf32, #tpu.memory_space<vmem>>) target(%dma_start3A_50 : memref<1x32x128xf32, #tpu.memory_space<hbm>>) target_semaphore(%arg19 : memref<!tpu.dma_semaphore, #tpu.memory_space<semaphore_mem>>)
    %dma_start3A_51 = arith.constant 0 : i32
    %dma_start3A_52 = arith.constant 0 : i32
    %dma_start3A_53 = tpu.memref_slice %arg6[%dma_start3A_51, %dma_start3A_52, %mul3A_2] : memref<50x32x4096xf32, #tpu.memory_space<hbm>> -> memref<1x32x128xf32, #tpu.memory_space<hbm>>
    %dma_start3A_54 = arith.constant 0 : i32
    %dma_start3A_55 = arith.constant 0 : i32
    %dma_start3A_56 = tpu.memref_slice %arg6[%dma_start3A_54, %dma_start3A_55, %mul3A_2] : memref<50x32x4096xf32, #tpu.memory_space<hbm>> -> memref<1x32x128xf32, #tpu.memory_space<hbm>>
    tpu.enqueue_dma source(%arg12 : memref<1x32x128xf32, #tpu.memory_space<vmem>>) target(%dma_start3A_56 : memref<1x32x128xf32, #tpu.memory_space<hbm>>) target_semaphore(%arg19 : memref<!tpu.dma_semaphore, #tpu.memory_space<semaphore_mem>>)
    %dma_start3A_57 = arith.constant 2 : i32
    %dma_start3A_58 = arith.constant 0 : i32
    %dma_start3A_59 = tpu.memref_slice %arg2[%dma_start3A_57, %mul3A_2, %dma_start3A_58] : memref<50x4096x128xf32, #tpu.memory_space<hbm>> -> memref<1x128x128xf32, #tpu.memory_space<hbm>>
    %dma_start3A_60 = arith.constant 2 : i32
    %dma_start3A_61 = arith.constant 0 : i32
    %dma_start3A_62 = tpu.memref_slice %arg2[%dma_start3A_60, %mul3A_2, %dma_start3A_61] : memref<50x4096x128xf32, #tpu.memory_space<hbm>> -> memref<1x128x128xf32, #tpu.memory_space<hbm>>
    tpu.enqueue_dma source(%dma_start3A_62 : memref<1x128x128xf32, #tpu.memory_space<hbm>>) target(%arg7 : memref<1x128x128xf32, #tpu.memory_space<vmem>>) target_semaphore(%arg17 : memref<!tpu.dma_semaphore, #tpu.memory_space<semaphore_mem>>)
    %dma_wait3A_63 = arith.constant 1 : i32
    %dma_wait3A_64 = arith.constant 0 : i32
    %dma_wait3A_65 = tpu.memref_slice %arg2[%dma_wait3A_63, %mul3A_2, %dma_wait3A_64] : memref<50x4096x128xf32, #tpu.memory_space<hbm>> -> memref<1x128x128xf32, #tpu.memory_space<hbm>>
    %dma_wait3A_66 = arith.constant 1 : i32
    %dma_wait3A_67 = arith.constant 0 : i32
    %dma_wait3A_68 = tpu.memref_slice %arg2[%dma_wait3A_66, %mul3A_2, %dma_wait3A_67] : memref<50x4096x128xf32, #tpu.memory_space<hbm>> -> memref<1x128x128xf32, #tpu.memory_space<hbm>>
    tpu.wait_dma2 semaphore(%arg18 : memref<!tpu.dma_semaphore, #tpu.memory_space<semaphore_mem>>) src(%dma_wait3A_68 : memref<1x128x128xf32, #tpu.memory_space<hbm>>) dst(%arg8 : memref<1x128x128xf32, #tpu.memory_space<vmem>>)
    %scan3A_69 = arith.constant 0 : i32
    %scan3A_70 = arith.constant 0 : i32
    %scan3A_71 = arith.constant 128 : i32
    %scan3A_72 = arith.addi %scan3A_70, %scan3A_71 : i32
    %scan3A_73 = arith.constant 2 : i32
    %scan3A_74 = scf.for %scan3A_283 = %scan3A_70 to %scan3A_72 step %scan3A_73 iter_args(%scan3A_284 = %scan3A_69) -> (i32)  : i32 {
      %add3A_285 = vector.broadcast %scan3A_283 : i32 to vector<16xi32>
      %add3A_286 = arith.addi %mul3A_5, %add3A_285 : vector<16xi32>
      %get3A = arith.constant 0 : i32
      %get3A_287 = arith.index_cast %get3A : i32 to index
      %get3A_288 = arith.index_cast %scan3A_283 : i32 to index
      %get3A_289 = arith.constant 0 : index
      %get3A_290 = tpu.vector_load %arg8[%get3A_287, %get3A_288, %get3A_289] {strides = array<i32>} : memref<1x128x128xf32, #tpu.memory_space<vmem>>, vector<16xf32>,
      tpu.vector_store_idx %arg13[%mul3A_5, %iota3A_6, %add3A_286], %get3A_290 : memref<1x32x128xf32, #tpu.memory_space<vmem>>[vector<16xi32>, vector<16xi32>, vector<16xi32>], vector<16xf32>,
      %get3A_291 = arith.constant 0 : i32
      %get3A_292 = arith.index_cast %get3A_291 : i32 to index
      %get3A_293 = arith.index_cast %scan3A_283 : i32 to index
      %get3A_294 = arith.constant 16 : index
      %get3A_295 = tpu.vector_load %arg8[%get3A_292, %get3A_293, %get3A_294] {strides = array<i32>} : memref<1x128x128xf32, #tpu.memory_space<vmem>>, vector<16xf32>,
      tpu.vector_store_idx %arg13[%mul3A_5, %add3A_10, %add3A_286], %get3A_295 : memref<1x32x128xf32, #tpu.memory_space<vmem>>[vector<16xi32>, vector<16xi32>, vector<16xi32>], vector<16xf32>,
      %get3A_296 = arith.constant 0 : i32
      %get3A_297 = arith.index_cast %get3A_296 : i32 to index
      %get3A_298 = arith.index_cast %scan3A_283 : i32 to index
      %get3A_299 = arith.constant 32 : index
      %get3A_300 = tpu.vector_load %arg8[%get3A_297, %get3A_298, %get3A_299] {strides = array<i32>} : memref<1x128x128xf32, #tpu.memory_space<vmem>>, vector<16xf32>,
      tpu.vector_store_idx %arg14[%mul3A_5, %iota3A_6, %add3A_286], %get3A_300 : memref<1x32x128xf32, #tpu.memory_space<vmem>>[vector<16xi32>, vector<16xi32>, vector<16xi32>], vector<16xf32>,
      %get3A_301 = arith.constant 0 : i32
      %get3A_302 = arith.index_cast %get3A_301 : i32 to index
      %get3A_303 = arith.index_cast %scan3A_283 : i32 to index
      %get3A_304 = arith.constant 48 : index
      %get3A_305 = tpu.vector_load %arg8[%get3A_302, %get3A_303, %get3A_304] {strides = array<i32>} : memref<1x128x128xf32, #tpu.memory_space<vmem>>, vector<16xf32>,
      tpu.vector_store_idx %arg14[%mul3A_5, %add3A_10, %add3A_286], %get3A_305 : memref<1x32x128xf32, #tpu.memory_space<vmem>>[vector<16xi32>, vector<16xi32>, vector<16xi32>], vector<16xf32>,
      %get3A_306 = arith.constant 0 : i32
      %get3A_307 = arith.index_cast %get3A_306 : i32 to index
      %get3A_308 = arith.index_cast %scan3A_283 : i32 to index
      %get3A_309 = arith.constant 64 : index
      %get3A_310 = tpu.vector_load %arg8[%get3A_307, %get3A_308, %get3A_309] {strides = array<i32>} : memref<1x128x128xf32, #tpu.memory_space<vmem>>, vector<16xf32>,
      tpu.vector_store_idx %arg15[%mul3A_5, %iota3A_6, %add3A_286], %get3A_310 : memref<1x32x128xf32, #tpu.memory_space<vmem>>[vector<16xi32>, vector<16xi32>, vector<16xi32>], vector<16xf32>,
      %get3A_311 = arith.constant 0 : i32
      %get3A_312 = arith.index_cast %get3A_311 : i32 to index
      %get3A_313 = arith.index_cast %scan3A_283 : i32 to index
      %get3A_314 = arith.constant 80 : index
      %get3A_315 = tpu.vector_load %arg8[%get3A_312, %get3A_313, %get3A_314] {strides = array<i32>} : memref<1x128x128xf32, #tpu.memory_space<vmem>>, vector<16xf32>,
      tpu.vector_store_idx %arg15[%mul3A_5, %add3A_10, %add3A_286], %get3A_315 : memref<1x32x128xf32, #tpu.memory_space<vmem>>[vector<16xi32>, vector<16xi32>, vector<16xi32>], vector<16xf32>,
      %get3A_316 = arith.constant 0 : i32
      %get3A_317 = arith.index_cast %get3A_316 : i32 to index
      %get3A_318 = arith.index_cast %scan3A_283 : i32 to index
      %get3A_319 = arith.constant 96 : index
      %get3A_320 = tpu.vector_load %arg8[%get3A_317, %get3A_318, %get3A_319] {strides = array<i32>} : memref<1x128x128xf32, #tpu.memory_space<vmem>>, vector<16xf32>,
      tpu.vector_store_idx %arg16[%mul3A_5, %iota3A_6, %add3A_286], %get3A_320 : memref<1x32x128xf32, #tpu.memory_space<vmem>>[vector<16xi32>, vector<16xi32>, vector<16xi32>], vector<16xf32>,
      %get3A_321 = arith.constant 0 : i32
      %get3A_322 = arith.index_cast %get3A_321 : i32 to index
      %get3A_323 = arith.index_cast %scan3A_283 : i32 to index
      %get3A_324 = arith.constant 112 : index
      %get3A_325 = tpu.vector_load %arg8[%get3A_322, %get3A_323, %get3A_324] {strides = array<i32>} : memref<1x128x128xf32, #tpu.memory_space<vmem>>, vector<16xf32>,
      tpu.vector_store_idx %arg16[%mul3A_5, %add3A_10, %add3A_286], %get3A_325 : memref<1x32x128xf32, #tpu.memory_space<vmem>>[vector<16xi32>, vector<16xi32>, vector<16xi32>], vector<16xf32>,
      %scan3A_326 = arith.constant 0 : i32
      %scan3A_327 = arith.constant 1 : i32
      %scan3A_328 = arith.addi %scan3A_283, %scan3A_327 : i32
      %add3A_329 = vector.broadcast %scan3A_328 : i32 to vector<16xi32>
      %add3A_330 = arith.addi %mul3A_5, %add3A_329 : vector<16xi32>
      %get3A_331 = arith.constant 0 : i32
      %get3A_332 = arith.index_cast %get3A_331 : i32 to index
      %get3A_333 = arith.index_cast %scan3A_328 : i32 to index
      %get3A_334 = arith.constant 0 : index
      %get3A_335 = tpu.vector_load %arg8[%get3A_332, %get3A_333, %get3A_334] {strides = array<i32>} : memref<1x128x128xf32, #tpu.memory_space<vmem>>, vector<16xf32>,
      tpu.vector_store_idx %arg13[%mul3A_5, %iota3A_6, %add3A_330], %get3A_335 : memref<1x32x128xf32, #tpu.memory_space<vmem>>[vector<16xi32>, vector<16xi32>, vector<16xi32>], vector<16xf32>,
      %get3A_336 = arith.constant 0 : i32
      %get3A_337 = arith.index_cast %get3A_336 : i32 to index
      %get3A_338 = arith.index_cast %scan3A_328 : i32 to index
      %get3A_339 = arith.constant 16 : index
      %get3A_340 = tpu.vector_load %arg8[%get3A_337, %get3A_338, %get3A_339] {strides = array<i32>} : memref<1x128x128xf32, #tpu.memory_space<vmem>>, vector<16xf32>,
      tpu.vector_store_idx %arg13[%mul3A_5, %add3A_10, %add3A_330], %get3A_340 : memref<1x32x128xf32, #tpu.memory_space<vmem>>[vector<16xi32>, vector<16xi32>, vector<16xi32>], vector<16xf32>,
      %get3A_341 = arith.constant 0 : i32
      %get3A_342 = arith.index_cast %get3A_341 : i32 to index
      %get3A_343 = arith.index_cast %scan3A_328 : i32 to index
      %get3A_344 = arith.constant 32 : index
      %get3A_345 = tpu.vector_load %arg8[%get3A_342, %get3A_343, %get3A_344] {strides = array<i32>} : memref<1x128x128xf32, #tpu.memory_space<vmem>>, vector<16xf32>,
      tpu.vector_store_idx %arg14[%mul3A_5, %iota3A_6, %add3A_330], %get3A_345 : memref<1x32x128xf32, #tpu.memory_space<vmem>>[vector<16xi32>, vector<16xi32>, vector<16xi32>], vector<16xf32>,
      %get3A_346 = arith.constant 0 : i32
      %get3A_347 = arith.index_cast %get3A_346 : i32 to index
      %get3A_348 = arith.index_cast %scan3A_328 : i32 to index
      %get3A_349 = arith.constant 48 : index
      %get3A_350 = tpu.vector_load %arg8[%get3A_347, %get3A_348, %get3A_349] {strides = array<i32>} : memref<1x128x128xf32, #tpu.memory_space<vmem>>, vector<16xf32>,
      tpu.vector_store_idx %arg14[%mul3A_5, %add3A_10, %add3A_330], %get3A_350 : memref<1x32x128xf32, #tpu.memory_space<vmem>>[vector<16xi32>, vector<16xi32>, vector<16xi32>], vector<16xf32>,
      %get3A_351 = arith.constant 0 : i32
      %get3A_352 = arith.index_cast %get3A_351 : i32 to index
      %get3A_353 = arith.index_cast %scan3A_328 : i32 to index
      %get3A_354 = arith.constant 64 : index
      %get3A_355 = tpu.vector_load %arg8[%get3A_352, %get3A_353, %get3A_354] {strides = array<i32>} : memref<1x128x128xf32, #tpu.memory_space<vmem>>, vector<16xf32>,
      tpu.vector_store_idx %arg15[%mul3A_5, %iota3A_6, %add3A_330], %get3A_355 : memref<1x32x128xf32, #tpu.memory_space<vmem>>[vector<16xi32>, vector<16xi32>, vector<16xi32>], vector<16xf32>,
      %get3A_356 = arith.constant 0 : i32
      %get3A_357 = arith.index_cast %get3A_356 : i32 to index
      %get3A_358 = arith.index_cast %scan3A_328 : i32 to index
      %get3A_359 = arith.constant 80 : index
      %get3A_360 = tpu.vector_load %arg8[%get3A_357, %get3A_358, %get3A_359] {strides = array<i32>} : memref<1x128x128xf32, #tpu.memory_space<vmem>>, vector<16xf32>,
      tpu.vector_store_idx %arg15[%mul3A_5, %add3A_10, %add3A_330], %get3A_360 : memref<1x32x128xf32, #tpu.memory_space<vmem>>[vector<16xi32>, vector<16xi32>, vector<16xi32>], vector<16xf32>,
      %get3A_361 = arith.constant 0 : i32
      %get3A_362 = arith.index_cast %get3A_361 : i32 to index
      %get3A_363 = arith.index_cast %scan3A_328 : i32 to index
      %get3A_364 = arith.constant 96 : index
      %get3A_365 = tpu.vector_load %arg8[%get3A_362, %get3A_363, %get3A_364] {strides = array<i32>} : memref<1x128x128xf32, #tpu.memory_space<vmem>>, vector<16xf32>,
      tpu.vector_store_idx %arg16[%mul3A_5, %iota3A_6, %add3A_330], %get3A_365 : memref<1x32x128xf32, #tpu.memory_space<vmem>>[vector<16xi32>, vector<16xi32>, vector<16xi32>], vector<16xf32>,
      %get3A_366 = arith.constant 0 : i32
      %get3A_367 = arith.index_cast %get3A_366 : i32 to index
      %get3A_368 = arith.index_cast %scan3A_328 : i32 to index
      %get3A_369 = arith.constant 112 : index
      %get3A_370 = tpu.vector_load %arg8[%get3A_367, %get3A_368, %get3A_369] {strides = array<i32>} : memref<1x128x128xf32, #tpu.memory_space<vmem>>, vector<16xf32>,
      tpu.vector_store_idx %arg16[%mul3A_5, %add3A_10, %add3A_330], %get3A_370 : memref<1x32x128xf32, #tpu.memory_space<vmem>>[vector<16xi32>, vector<16xi32>, vector<16xi32>], vector<16xf32>,
      %scan3A_371 = arith.constant 0 : i32
      scf.yield %scan3A_371 : i32
    }
    %scan3A_75 = arith.constant 128 : i32
    %dma_start3A_76 = arith.constant 1 : i32
    %dma_start3A_77 = arith.constant 0 : i32
    %dma_start3A_78 = tpu.memref_slice %arg3[%dma_start3A_76, %dma_start3A_77, %mul3A_2] : memref<50x32x4096xf32, #tpu.memory_space<hbm>> -> memref<1x32x128xf32, #tpu.memory_space<hbm>>
    %dma_start3A_79 = arith.constant 1 : i32
    %dma_start3A_80 = arith.constant 0 : i32
    %dma_start3A_81 = tpu.memref_slice %arg3[%dma_start3A_79, %dma_start3A_80, %mul3A_2] : memref<50x32x4096xf32, #tpu.memory_space<hbm>> -> memref<1x32x128xf32, #tpu.memory_space<hbm>>
    tpu.enqueue_dma source(%arg13 : memref<1x32x128xf32, #tpu.memory_space<vmem>>) target(%dma_start3A_81 : memref<1x32x128xf32, #tpu.memory_space<hbm>>) target_semaphore(%arg20 : memref<!tpu.dma_semaphore, #tpu.memory_space<semaphore_mem>>)
    %dma_start3A_82 = arith.constant 1 : i32
    %dma_start3A_83 = arith.constant 0 : i32
    %dma_start3A_84 = tpu.memref_slice %arg4[%dma_start3A_82, %dma_start3A_83, %mul3A_2] : memref<50x32x4096xf32, #tpu.memory_space<hbm>> -> memref<1x32x128xf32, #tpu.memory_space<hbm>>
    %dma_start3A_85 = arith.constant 1 : i32
    %dma_start3A_86 = arith.constant 0 : i32
    %dma_start3A_87 = tpu.memref_slice %arg4[%dma_start3A_85, %dma_start3A_86, %mul3A_2] : memref<50x32x4096xf32, #tpu.memory_space<hbm>> -> memref<1x32x128xf32, #tpu.memory_space<hbm>>
    tpu.enqueue_dma source(%arg14 : memref<1x32x128xf32, #tpu.memory_space<vmem>>) target(%dma_start3A_87 : memref<1x32x128xf32, #tpu.memory_space<hbm>>) target_semaphore(%arg20 : memref<!tpu.dma_semaphore, #tpu.memory_space<semaphore_mem>>)
    %dma_start3A_88 = arith.constant 1 : i32
    %dma_start3A_89 = arith.constant 0 : i32
    %dma_start3A_90 = tpu.memref_slice %arg5[%dma_start3A_88, %dma_start3A_89, %mul3A_2] : memref<50x32x4096xf32, #tpu.memory_space<hbm>> -> memref<1x32x128xf32, #tpu.memory_space<hbm>>
    %dma_start3A_91 = arith.constant 1 : i32
    %dma_start3A_92 = arith.constant 0 : i32
    %dma_start3A_93 = tpu.memref_slice %arg5[%dma_start3A_91, %dma_start3A_92, %mul3A_2] : memref<50x32x4096xf32, #tpu.memory_space<hbm>> -> memref<1x32x128xf32, #tpu.memory_space<hbm>>
    tpu.enqueue_dma source(%arg15 : memref<1x32x128xf32, #tpu.memory_space<vmem>>) target(%dma_start3A_93 : memref<1x32x128xf32, #tpu.memory_space<hbm>>) target_semaphore(%arg20 : memref<!tpu.dma_semaphore, #tpu.memory_space<semaphore_mem>>)
    %dma_start3A_94 = arith.constant 1 : i32
    %dma_start3A_95 = arith.constant 0 : i32
    %dma_start3A_96 = tpu.memref_slice %arg6[%dma_start3A_94, %dma_start3A_95, %mul3A_2] : memref<50x32x4096xf32, #tpu.memory_space<hbm>> -> memref<1x32x128xf32, #tpu.memory_space<hbm>>
    %dma_start3A_97 = arith.constant 1 : i32
    %dma_start3A_98 = arith.constant 0 : i32
    %dma_start3A_99 = tpu.memref_slice %arg6[%dma_start3A_97, %dma_start3A_98, %mul3A_2] : memref<50x32x4096xf32, #tpu.memory_space<hbm>> -> memref<1x32x128xf32, #tpu.memory_space<hbm>>
    tpu.enqueue_dma source(%arg16 : memref<1x32x128xf32, #tpu.memory_space<vmem>>) target(%dma_start3A_99 : memref<1x32x128xf32, #tpu.memory_space<hbm>>) target_semaphore(%arg20 : memref<!tpu.dma_semaphore, #tpu.memory_space<semaphore_mem>>)
    %scan3A_100 = arith.constant 0 : i32
    %scan3A_101 = arith.constant 1 : i32
    %scan3A_102 = arith.constant 23 : i32
    %scan3A_103 = arith.addi %scan3A_101, %scan3A_102 : i32
    %scan3A_104 = arith.constant 1 : i32
    %scan3A_105 = scf.for %scan3A_283 = %scan3A_101 to %scan3A_103 step %scan3A_104 iter_args(%scan3A_284 = %scan3A_100) -> (i32)  : i32 {
      %mul3A_285 = arith.constant 2 : i32
      %mul3A_286 = arith.muli %scan3A_283, %mul3A_285 : i32
      %add3A_287 = arith.constant 1 : i32
      %add3A_288 = arith.addi %mul3A_286, %add3A_287 : i32
      %dma_start3A_289 = arith.constant 0 : i32
      %dma_start3A_290 = tpu.memref_slice %arg2[%add3A_288, %mul3A_2, %dma_start3A_289] : memref<50x4096x128xf32, #tpu.memory_space<hbm>> -> memref<1x128x128xf32, #tpu.memory_space<hbm>>
      %dma_start3A_291 = arith.constant 0 : i32
      %dma_start3A_292 = tpu.memref_slice %arg2[%add3A_288, %mul3A_2, %dma_start3A_291] : memref<50x4096x128xf32, #tpu.memory_space<hbm>> -> memref<1x128x128xf32, #tpu.memory_space<hbm>>
      tpu.enqueue_dma source(%dma_start3A_292 : memref<1x128x128xf32, #tpu.memory_space<hbm>>) target(%arg8 : memref<1x128x128xf32, #tpu.memory_space<vmem>>) target_semaphore(%arg18 : memref<!tpu.dma_semaphore, #tpu.memory_space<semaphore_mem>>)
      %dma_wait3A_293 = arith.constant 0 : i32
      %dma_wait3A_294 = tpu.memref_slice %arg2[%mul3A_286, %mul3A_2, %dma_wait3A_293] : memref<50x4096x128xf32, #tpu.memory_space<hbm>> -> memref<1x128x128xf32, #tpu.memory_space<hbm>>
      %dma_wait3A_295 = arith.constant 0 : i32
      %dma_wait3A_296 = tpu.memref_slice %arg2[%mul3A_286, %mul3A_2, %dma_wait3A_295] : memref<50x4096x128xf32, #tpu.memory_space<hbm>> -> memref<1x128x128xf32, #tpu.memory_space<hbm>>
      tpu.wait_dma2 semaphore(%arg17 : memref<!tpu.dma_semaphore, #tpu.memory_space<semaphore_mem>>) src(%dma_wait3A_296 : memref<1x128x128xf32, #tpu.memory_space<hbm>>) dst(%arg7 : memref<1x128x128xf32, #tpu.memory_space<vmem>>)
      %sub3A = arith.constant 2 : i32
      %sub3A_297 = arith.subi %mul3A_286, %sub3A : i32
      %dma_wait3A_298 = arith.constant 0 : i32
      %dma_wait3A_299 = tpu.memref_slice %arg3[%sub3A_297, %dma_wait3A_298, %mul3A_2] : memref<50x32x4096xf32, #tpu.memory_space<hbm>> -> memref<1x32x128xf32, #tpu.memory_space<hbm>>
      %dma_wait3A_300 = arith.constant 0 : i32
      %dma_wait3A_301 = tpu.memref_slice %arg3[%sub3A_297, %dma_wait3A_300, %mul3A_2] : memref<50x32x4096xf32, #tpu.memory_space<hbm>> -> memref<1x32x128xf32, #tpu.memory_space<hbm>>
      tpu.wait_dma2 semaphore(%arg19 : memref<!tpu.dma_semaphore, #tpu.memory_space<semaphore_mem>>) src(%arg9 : memref<1x32x128xf32, #tpu.memory_space<vmem>>) dst(%dma_wait3A_301 : memref<1x32x128xf32, #tpu.memory_space<hbm>>)
      %sub3A_302 = arith.constant 2 : i32
      %sub3A_303 = arith.subi %mul3A_286, %sub3A_302 : i32
      %dma_wait3A_304 = arith.constant 0 : i32
      %dma_wait3A_305 = tpu.memref_slice %arg4[%sub3A_303, %dma_wait3A_304, %mul3A_2] : memref<50x32x4096xf32, #tpu.memory_space<hbm>> -> memref<1x32x128xf32, #tpu.memory_space<hbm>>
      %dma_wait3A_306 = arith.constant 0 : i32
      %dma_wait3A_307 = tpu.memref_slice %arg4[%sub3A_303, %dma_wait3A_306, %mul3A_2] : memref<50x32x4096xf32, #tpu.memory_space<hbm>> -> memref<1x32x128xf32, #tpu.memory_space<hbm>>
      tpu.wait_dma2 semaphore(%arg19 : memref<!tpu.dma_semaphore, #tpu.memory_space<semaphore_mem>>) src(%arg10 : memref<1x32x128xf32, #tpu.memory_space<vmem>>) dst(%dma_wait3A_307 : memref<1x32x128xf32, #tpu.memory_space<hbm>>)
      %sub3A_308 = arith.constant 2 : i32
      %sub3A_309 = arith.subi %mul3A_286, %sub3A_308 : i32
      %dma_wait3A_310 = arith.constant 0 : i32
      %dma_wait3A_311 = tpu.memref_slice %arg5[%sub3A_309, %dma_wait3A_310, %mul3A_2] : memref<50x32x4096xf32, #tpu.memory_space<hbm>> -> memref<1x32x128xf32, #tpu.memory_space<hbm>>
      %dma_wait3A_312 = arith.constant 0 : i32
      %dma_wait3A_313 = tpu.memref_slice %arg5[%sub3A_309, %dma_wait3A_312, %mul3A_2] : memref<50x32x4096xf32, #tpu.memory_space<hbm>> -> memref<1x32x128xf32, #tpu.memory_space<hbm>>
      tpu.wait_dma2 semaphore(%arg19 : memref<!tpu.dma_semaphore, #tpu.memory_space<semaphore_mem>>) src(%arg11 : memref<1x32x128xf32, #tpu.memory_space<vmem>>) dst(%dma_wait3A_313 : memref<1x32x128xf32, #tpu.memory_space<hbm>>)
      %sub3A_314 = arith.constant 2 : i32
      %sub3A_315 = arith.subi %mul3A_286, %sub3A_314 : i32
      %dma_wait3A_316 = arith.constant 0 : i32
      %dma_wait3A_317 = tpu.memref_slice %arg6[%sub3A_315, %dma_wait3A_316, %mul3A_2] : memref<50x32x4096xf32, #tpu.memory_space<hbm>> -> memref<1x32x128xf32, #tpu.memory_space<hbm>>
      %dma_wait3A_318 = arith.constant 0 : i32
      %dma_wait3A_319 = tpu.memref_slice %arg6[%sub3A_315, %dma_wait3A_318, %mul3A_2] : memref<50x32x4096xf32, #tpu.memory_space<hbm>> -> memref<1x32x128xf32, #tpu.memory_space<hbm>>
      tpu.wait_dma2 semaphore(%arg19 : memref<!tpu.dma_semaphore, #tpu.memory_space<semaphore_mem>>) src(%arg12 : memref<1x32x128xf32, #tpu.memory_space<vmem>>) dst(%dma_wait3A_319 : memref<1x32x128xf32, #tpu.memory_space<hbm>>)
      %scan3A_320 = arith.constant 0 : i32
      %scan3A_321 = arith.constant 0 : i32
      %scan3A_322 = arith.constant 128 : i32
      %scan3A_323 = arith.addi %scan3A_321, %scan3A_322 : i32
      %scan3A_324 = arith.constant 2 : i32
      %scan3A_325 = scf.for %scan3A_403 = %scan3A_321 to %scan3A_323 step %scan3A_324 iter_args(%scan3A_404 = %scan3A_320) -> (i32)  : i32 {
        %add3A_405 = vector.broadcast %scan3A_403 : i32 to vector<16xi32>
        %add3A_406 = arith.addi %mul3A_5, %add3A_405 : vector<16xi32>
        %get3A = arith.constant 0 : i32
        %get3A_407 = arith.index_cast %get3A : i32 to index
        %get3A_408 = arith.index_cast %scan3A_403 : i32 to index
        %get3A_409 = arith.constant 0 : index
        %get3A_410 = tpu.vector_load %arg7[%get3A_407, %get3A_408, %get3A_409] {strides = array<i32>} : memref<1x128x128xf32, #tpu.memory_space<vmem>>, vector<16xf32>,
        tpu.vector_store_idx %arg9[%mul3A_5, %iota3A_6, %add3A_406], %get3A_410 : memref<1x32x128xf32, #tpu.memory_space<vmem>>[vector<16xi32>, vector<16xi32>, vector<16xi32>], vector<16xf32>,
        %get3A_411 = arith.constant 0 : i32
        %get3A_412 = arith.index_cast %get3A_411 : i32 to index
        %get3A_413 = arith.index_cast %scan3A_403 : i32 to index
        %get3A_414 = arith.constant 16 : index
        %get3A_415 = tpu.vector_load %arg7[%get3A_412, %get3A_413, %get3A_414] {strides = array<i32>} : memref<1x128x128xf32, #tpu.memory_space<vmem>>, vector<16xf32>,
        tpu.vector_store_idx %arg9[%mul3A_5, %add3A_10, %add3A_406], %get3A_415 : memref<1x32x128xf32, #tpu.memory_space<vmem>>[vector<16xi32>, vector<16xi32>, vector<16xi32>], vector<16xf32>,
        %get3A_416 = arith.constant 0 : i32
        %get3A_417 = arith.index_cast %get3A_416 : i32 to index
        %get3A_418 = arith.index_cast %scan3A_403 : i32 to index
        %get3A_419 = arith.constant 32 : index
        %get3A_420 = tpu.vector_load %arg7[%get3A_417, %get3A_418, %get3A_419] {strides = array<i32>} : memref<1x128x128xf32, #tpu.memory_space<vmem>>, vector<16xf32>,
        tpu.vector_store_idx %arg10[%mul3A_5, %iota3A_6, %add3A_406], %get3A_420 : memref<1x32x128xf32, #tpu.memory_space<vmem>>[vector<16xi32>, vector<16xi32>, vector<16xi32>], vector<16xf32>,
        %get3A_421 = arith.constant 0 : i32
        %get3A_422 = arith.index_cast %get3A_421 : i32 to index
        %get3A_423 = arith.index_cast %scan3A_403 : i32 to index
        %get3A_424 = arith.constant 48 : index
        %get3A_425 = tpu.vector_load %arg7[%get3A_422, %get3A_423, %get3A_424] {strides = array<i32>} : memref<1x128x128xf32, #tpu.memory_space<vmem>>, vector<16xf32>,
        tpu.vector_store_idx %arg10[%mul3A_5, %add3A_10, %add3A_406], %get3A_425 : memref<1x32x128xf32, #tpu.memory_space<vmem>>[vector<16xi32>, vector<16xi32>, vector<16xi32>], vector<16xf32>,
        %get3A_426 = arith.constant 0 : i32
        %get3A_427 = arith.index_cast %get3A_426 : i32 to index
        %get3A_428 = arith.index_cast %scan3A_403 : i32 to index
        %get3A_429 = arith.constant 64 : index
        %get3A_430 = tpu.vector_load %arg7[%get3A_427, %get3A_428, %get3A_429] {strides = array<i32>} : memref<1x128x128xf32, #tpu.memory_space<vmem>>, vector<16xf32>,
        tpu.vector_store_idx %arg11[%mul3A_5, %iota3A_6, %add3A_406], %get3A_430 : memref<1x32x128xf32, #tpu.memory_space<vmem>>[vector<16xi32>, vector<16xi32>, vector<16xi32>], vector<16xf32>,
        %get3A_431 = arith.constant 0 : i32
        %get3A_432 = arith.index_cast %get3A_431 : i32 to index
        %get3A_433 = arith.index_cast %scan3A_403 : i32 to index
        %get3A_434 = arith.constant 80 : index
        %get3A_435 = tpu.vector_load %arg7[%get3A_432, %get3A_433, %get3A_434] {strides = array<i32>} : memref<1x128x128xf32, #tpu.memory_space<vmem>>, vector<16xf32>,
        tpu.vector_store_idx %arg11[%mul3A_5, %add3A_10, %add3A_406], %get3A_435 : memref<1x32x128xf32, #tpu.memory_space<vmem>>[vector<16xi32>, vector<16xi32>, vector<16xi32>], vector<16xf32>,
        %get3A_436 = arith.constant 0 : i32
        %get3A_437 = arith.index_cast %get3A_436 : i32 to index
        %get3A_438 = arith.index_cast %scan3A_403 : i32 to index
        %get3A_439 = arith.constant 96 : index
        %get3A_440 = tpu.vector_load %arg7[%get3A_437, %get3A_438, %get3A_439] {strides = array<i32>} : memref<1x128x128xf32, #tpu.memory_space<vmem>>, vector<16xf32>,
        tpu.vector_store_idx %arg12[%mul3A_5, %iota3A_6, %add3A_406], %get3A_440 : memref<1x32x128xf32, #tpu.memory_space<vmem>>[vector<16xi32>, vector<16xi32>, vector<16xi32>], vector<16xf32>,
        %get3A_441 = arith.constant 0 : i32
        %get3A_442 = arith.index_cast %get3A_441 : i32 to index
        %get3A_443 = arith.index_cast %scan3A_403 : i32 to index
        %get3A_444 = arith.constant 112 : index
        %get3A_445 = tpu.vector_load %arg7[%get3A_442, %get3A_443, %get3A_444] {strides = array<i32>} : memref<1x128x128xf32, #tpu.memory_space<vmem>>, vector<16xf32>,
        tpu.vector_store_idx %arg12[%mul3A_5, %add3A_10, %add3A_406], %get3A_445 : memref<1x32x128xf32, #tpu.memory_space<vmem>>[vector<16xi32>, vector<16xi32>, vector<16xi32>], vector<16xf32>,
        %scan3A_446 = arith.constant 0 : i32
        %scan3A_447 = arith.constant 1 : i32
        %scan3A_448 = arith.addi %scan3A_403, %scan3A_447 : i32
        %add3A_449 = vector.broadcast %scan3A_448 : i32 to vector<16xi32>
        %add3A_450 = arith.addi %mul3A_5, %add3A_449 : vector<16xi32>
        %get3A_451 = arith.constant 0 : i32
        %get3A_452 = arith.index_cast %get3A_451 : i32 to index
        %get3A_453 = arith.index_cast %scan3A_448 : i32 to index
        %get3A_454 = arith.constant 0 : index
        %get3A_455 = tpu.vector_load %arg7[%get3A_452, %get3A_453, %get3A_454] {strides = array<i32>} : memref<1x128x128xf32, #tpu.memory_space<vmem>>, vector<16xf32>,
        tpu.vector_store_idx %arg9[%mul3A_5, %iota3A_6, %add3A_450], %get3A_455 : memref<1x32x128xf32, #tpu.memory_space<vmem>>[vector<16xi32>, vector<16xi32>, vector<16xi32>], vector<16xf32>,
        %get3A_456 = arith.constant 0 : i32
        %get3A_457 = arith.index_cast %get3A_456 : i32 to index
        %get3A_458 = arith.index_cast %scan3A_448 : i32 to index
        %get3A_459 = arith.constant 16 : index
        %get3A_460 = tpu.vector_load %arg7[%get3A_457, %get3A_458, %get3A_459] {strides = array<i32>} : memref<1x128x128xf32, #tpu.memory_space<vmem>>, vector<16xf32>,
        tpu.vector_store_idx %arg9[%mul3A_5, %add3A_10, %add3A_450], %get3A_460 : memref<1x32x128xf32, #tpu.memory_space<vmem>>[vector<16xi32>, vector<16xi32>, vector<16xi32>], vector<16xf32>,
        %get3A_461 = arith.constant 0 : i32
        %get3A_462 = arith.index_cast %get3A_461 : i32 to index
        %get3A_463 = arith.index_cast %scan3A_448 : i32 to index
        %get3A_464 = arith.constant 32 : index
        %get3A_465 = tpu.vector_load %arg7[%get3A_462, %get3A_463, %get3A_464] {strides = array<i32>} : memref<1x128x128xf32, #tpu.memory_space<vmem>>, vector<16xf32>,
        tpu.vector_store_idx %arg10[%mul3A_5, %iota3A_6, %add3A_450], %get3A_465 : memref<1x32x128xf32, #tpu.memory_space<vmem>>[vector<16xi32>, vector<16xi32>, vector<16xi32>], vector<16xf32>,
        %get3A_466 = arith.constant 0 : i32
        %get3A_467 = arith.index_cast %get3A_466 : i32 to index
        %get3A_468 = arith.index_cast %scan3A_448 : i32 to index
        %get3A_469 = arith.constant 48 : index
        %get3A_470 = tpu.vector_load %arg7[%get3A_467, %get3A_468, %get3A_469] {strides = array<i32>} : memref<1x128x128xf32, #tpu.memory_space<vmem>>, vector<16xf32>,
        tpu.vector_store_idx %arg10[%mul3A_5, %add3A_10, %add3A_450], %get3A_470 : memref<1x32x128xf32, #tpu.memory_space<vmem>>[vector<16xi32>, vector<16xi32>, vector<16xi32>], vector<16xf32>,
        %get3A_471 = arith.constant 0 : i32
        %get3A_472 = arith.index_cast %get3A_471 : i32 to index
        %get3A_473 = arith.index_cast %scan3A_448 : i32 to index
        %get3A_474 = arith.constant 64 : index
        %get3A_475 = tpu.vector_load %arg7[%get3A_472, %get3A_473, %get3A_474] {strides = array<i32>} : memref<1x128x128xf32, #tpu.memory_space<vmem>>, vector<16xf32>,
        tpu.vector_store_idx %arg11[%mul3A_5, %iota3A_6, %add3A_450], %get3A_475 : memref<1x32x128xf32, #tpu.memory_space<vmem>>[vector<16xi32>, vector<16xi32>, vector<16xi32>], vector<16xf32>,
        %get3A_476 = arith.constant 0 : i32
        %get3A_477 = arith.index_cast %get3A_476 : i32 to index
        %get3A_478 = arith.index_cast %scan3A_448 : i32 to index
        %get3A_479 = arith.constant 80 : index
        %get3A_480 = tpu.vector_load %arg7[%get3A_477, %get3A_478, %get3A_479] {strides = array<i32>} : memref<1x128x128xf32, #tpu.memory_space<vmem>>, vector<16xf32>,
        tpu.vector_store_idx %arg11[%mul3A_5, %add3A_10, %add3A_450], %get3A_480 : memref<1x32x128xf32, #tpu.memory_space<vmem>>[vector<16xi32>, vector<16xi32>, vector<16xi32>], vector<16xf32>,
        %get3A_481 = arith.constant 0 : i32
        %get3A_482 = arith.index_cast %get3A_481 : i32 to index
        %get3A_483 = arith.index_cast %scan3A_448 : i32 to index
        %get3A_484 = arith.constant 96 : index
        %get3A_485 = tpu.vector_load %arg7[%get3A_482, %get3A_483, %get3A_484] {strides = array<i32>} : memref<1x128x128xf32, #tpu.memory_space<vmem>>, vector<16xf32>,
        tpu.vector_store_idx %arg12[%mul3A_5, %iota3A_6, %add3A_450], %get3A_485 : memref<1x32x128xf32, #tpu.memory_space<vmem>>[vector<16xi32>, vector<16xi32>, vector<16xi32>], vector<16xf32>,
        %get3A_486 = arith.constant 0 : i32
        %get3A_487 = arith.index_cast %get3A_486 : i32 to index
        %get3A_488 = arith.index_cast %scan3A_448 : i32 to index
        %get3A_489 = arith.constant 112 : index
        %get3A_490 = tpu.vector_load %arg7[%get3A_487, %get3A_488, %get3A_489] {strides = array<i32>} : memref<1x128x128xf32, #tpu.memory_space<vmem>>, vector<16xf32>,
        tpu.vector_store_idx %arg12[%mul3A_5, %add3A_10, %add3A_450], %get3A_490 : memref<1x32x128xf32, #tpu.memory_space<vmem>>[vector<16xi32>, vector<16xi32>, vector<16xi32>], vector<16xf32>,
        %scan3A_491 = arith.constant 0 : i32
        scf.yield %scan3A_491 : i32
      }
      %scan3A_326 = arith.constant 128 : i32
      %dma_start3A_327 = arith.constant 0 : i32
      %dma_start3A_328 = tpu.memref_slice %arg3[%mul3A_286, %dma_start3A_327, %mul3A_2] : memref<50x32x4096xf32, #tpu.memory_space<hbm>> -> memref<1x32x128xf32, #tpu.memory_space<hbm>>
      %dma_start3A_329 = arith.constant 0 : i32
      %dma_start3A_330 = tpu.memref_slice %arg3[%mul3A_286, %dma_start3A_329, %mul3A_2] : memref<50x32x4096xf32, #tpu.memory_space<hbm>> -> memref<1x32x128xf32, #tpu.memory_space<hbm>>
      tpu.enqueue_dma source(%arg9 : memref<1x32x128xf32, #tpu.memory_space<vmem>>) target(%dma_start3A_330 : memref<1x32x128xf32, #tpu.memory_space<hbm>>) target_semaphore(%arg19 : memref<!tpu.dma_semaphore, #tpu.memory_space<semaphore_mem>>)
      %dma_start3A_331 = arith.constant 0 : i32
      %dma_start3A_332 = tpu.memref_slice %arg4[%mul3A_286, %dma_start3A_331, %mul3A_2] : memref<50x32x4096xf32, #tpu.memory_space<hbm>> -> memref<1x32x128xf32, #tpu.memory_space<hbm>>
      %dma_start3A_333 = arith.constant 0 : i32
      %dma_start3A_334 = tpu.memref_slice %arg4[%mul3A_286, %dma_start3A_333, %mul3A_2] : memref<50x32x4096xf32, #tpu.memory_space<hbm>> -> memref<1x32x128xf32, #tpu.memory_space<hbm>>
      tpu.enqueue_dma source(%arg10 : memref<1x32x128xf32, #tpu.memory_space<vmem>>) target(%dma_start3A_334 : memref<1x32x128xf32, #tpu.memory_space<hbm>>) target_semaphore(%arg19 : memref<!tpu.dma_semaphore, #tpu.memory_space<semaphore_mem>>)
      %dma_start3A_335 = arith.constant 0 : i32
      %dma_start3A_336 = tpu.memref_slice %arg5[%mul3A_286, %dma_start3A_335, %mul3A_2] : memref<50x32x4096xf32, #tpu.memory_space<hbm>> -> memref<1x32x128xf32, #tpu.memory_space<hbm>>
      %dma_start3A_337 = arith.constant 0 : i32
      %dma_start3A_338 = tpu.memref_slice %arg5[%mul3A_286, %dma_start3A_337, %mul3A_2] : memref<50x32x4096xf32, #tpu.memory_space<hbm>> -> memref<1x32x128xf32, #tpu.memory_space<hbm>>
      tpu.enqueue_dma source(%arg11 : memref<1x32x128xf32, #tpu.memory_space<vmem>>) target(%dma_start3A_338 : memref<1x32x128xf32, #tpu.memory_space<hbm>>) target_semaphore(%arg19 : memref<!tpu.dma_semaphore, #tpu.memory_space<semaphore_mem>>)
      %dma_start3A_339 = arith.constant 0 : i32
      %dma_start3A_340 = tpu.memref_slice %arg6[%mul3A_286, %dma_start3A_339, %mul3A_2] : memref<50x32x4096xf32, #tpu.memory_space<hbm>> -> memref<1x32x128xf32, #tpu.memory_space<hbm>>
      %dma_start3A_341 = arith.constant 0 : i32
      %dma_start3A_342 = tpu.memref_slice %arg6[%mul3A_286, %dma_start3A_341, %mul3A_2] : memref<50x32x4096xf32, #tpu.memory_space<hbm>> -> memref<1x32x128xf32, #tpu.memory_space<hbm>>
      tpu.enqueue_dma source(%arg12 : memref<1x32x128xf32, #tpu.memory_space<vmem>>) target(%dma_start3A_342 : memref<1x32x128xf32, #tpu.memory_space<hbm>>) target_semaphore(%arg19 : memref<!tpu.dma_semaphore, #tpu.memory_space<semaphore_mem>>)
      %add3A_343 = arith.constant 1 : i32
      %add3A_344 = arith.addi %mul3A_286, %add3A_343 : i32
      %add3A_345 = arith.constant 1 : i32
      %add3A_346 = arith.addi %add3A_344, %add3A_345 : i32
      %dma_start3A_347 = arith.constant 0 : i32
      %dma_start3A_348 = tpu.memref_slice %arg2[%add3A_346, %mul3A_2, %dma_start3A_347] : memref<50x4096x128xf32, #tpu.memory_space<hbm>> -> memref<1x128x128xf32, #tpu.memory_space<hbm>>
      %dma_start3A_349 = arith.constant 0 : i32
      %dma_start3A_350 = tpu.memref_slice %arg2[%add3A_346, %mul3A_2, %dma_start3A_349] : memref<50x4096x128xf32, #tpu.memory_space<hbm>> -> memref<1x128x128xf32, #tpu.memory_space<hbm>>
      tpu.enqueue_dma source(%dma_start3A_350 : memref<1x128x128xf32, #tpu.memory_space<hbm>>) target(%arg7 : memref<1x128x128xf32, #tpu.memory_space<vmem>>) target_semaphore(%arg17 : memref<!tpu.dma_semaphore, #tpu.memory_space<semaphore_mem>>)
      %dma_wait3A_351 = arith.constant 0 : i32
      %dma_wait3A_352 = tpu.memref_slice %arg2[%add3A_344, %mul3A_2, %dma_wait3A_351] : memref<50x4096x128xf32, #tpu.memory_space<hbm>> -> memref<1x128x128xf32, #tpu.memory_space<hbm>>
      %dma_wait3A_353 = arith.constant 0 : i32
      %dma_wait3A_354 = tpu.memref_slice %arg2[%add3A_344, %mul3A_2, %dma_wait3A_353] : memref<50x4096x128xf32, #tpu.memory_space<hbm>> -> memref<1x128x128xf32, #tpu.memory_space<hbm>>
      tpu.wait_dma2 semaphore(%arg18 : memref<!tpu.dma_semaphore, #tpu.memory_space<semaphore_mem>>) src(%dma_wait3A_354 : memref<1x128x128xf32, #tpu.memory_space<hbm>>) dst(%arg8 : memref<1x128x128xf32, #tpu.memory_space<vmem>>)
      %sub3A_355 = arith.constant 2 : i32
      %sub3A_356 = arith.subi %add3A_344, %sub3A_355 : i32
      %dma_wait3A_357 = arith.constant 0 : i32
      %dma_wait3A_358 = tpu.memref_slice %arg3[%sub3A_356, %dma_wait3A_357, %mul3A_2] : memref<50x32x4096xf32, #tpu.memory_space<hbm>> -> memref<1x32x128xf32, #tpu.memory_space<hbm>>
      %dma_wait3A_359 = arith.constant 0 : i32
      %dma_wait3A_360 = tpu.memref_slice %arg3[%sub3A_356, %dma_wait3A_359, %mul3A_2] : memref<50x32x4096xf32, #tpu.memory_space<hbm>> -> memref<1x32x128xf32, #tpu.memory_space<hbm>>
      tpu.wait_dma2 semaphore(%arg20 : memref<!tpu.dma_semaphore, #tpu.memory_space<semaphore_mem>>) src(%arg13 : memref<1x32x128xf32, #tpu.memory_space<vmem>>) dst(%dma_wait3A_360 : memref<1x32x128xf32, #tpu.memory_space<hbm>>)
      %sub3A_361 = arith.constant 2 : i32
      %sub3A_362 = arith.subi %add3A_344, %sub3A_361 : i32
      %dma_wait3A_363 = arith.constant 0 : i32
      %dma_wait3A_364 = tpu.memref_slice %arg4[%sub3A_362, %dma_wait3A_363, %mul3A_2] : memref<50x32x4096xf32, #tpu.memory_space<hbm>> -> memref<1x32x128xf32, #tpu.memory_space<hbm>>
      %dma_wait3A_365 = arith.constant 0 : i32
      %dma_wait3A_366 = tpu.memref_slice %arg4[%sub3A_362, %dma_wait3A_365, %mul3A_2] : memref<50x32x4096xf32, #tpu.memory_space<hbm>> -> memref<1x32x128xf32, #tpu.memory_space<hbm>>
      tpu.wait_dma2 semaphore(%arg20 : memref<!tpu.dma_semaphore, #tpu.memory_space<semaphore_mem>>) src(%arg14 : memref<1x32x128xf32, #tpu.memory_space<vmem>>) dst(%dma_wait3A_366 : memref<1x32x128xf32, #tpu.memory_space<hbm>>)
      %sub3A_367 = arith.constant 2 : i32
      %sub3A_368 = arith.subi %add3A_344, %sub3A_367 : i32
      %dma_wait3A_369 = arith.constant 0 : i32
      %dma_wait3A_370 = tpu.memref_slice %arg5[%sub3A_368, %dma_wait3A_369, %mul3A_2] : memref<50x32x4096xf32, #tpu.memory_space<hbm>> -> memref<1x32x128xf32, #tpu.memory_space<hbm>>
      %dma_wait3A_371 = arith.constant 0 : i32
      %dma_wait3A_372 = tpu.memref_slice %arg5[%sub3A_368, %dma_wait3A_371, %mul3A_2] : memref<50x32x4096xf32, #tpu.memory_space<hbm>> -> memref<1x32x128xf32, #tpu.memory_space<hbm>>
      tpu.wait_dma2 semaphore(%arg20 : memref<!tpu.dma_semaphore, #tpu.memory_space<semaphore_mem>>) src(%arg15 : memref<1x32x128xf32, #tpu.memory_space<vmem>>) dst(%dma_wait3A_372 : memref<1x32x128xf32, #tpu.memory_space<hbm>>)
      %sub3A_373 = arith.constant 2 : i32
      %sub3A_374 = arith.subi %add3A_344, %sub3A_373 : i32
      %dma_wait3A_375 = arith.constant 0 : i32
      %dma_wait3A_376 = tpu.memref_slice %arg6[%sub3A_374, %dma_wait3A_375, %mul3A_2] : memref<50x32x4096xf32, #tpu.memory_space<hbm>> -> memref<1x32x128xf32, #tpu.memory_space<hbm>>
      %dma_wait3A_377 = arith.constant 0 : i32
      %dma_wait3A_378 = tpu.memref_slice %arg6[%sub3A_374, %dma_wait3A_377, %mul3A_2] : memref<50x32x4096xf32, #tpu.memory_space<hbm>> -> memref<1x32x128xf32, #tpu.memory_space<hbm>>
      tpu.wait_dma2 semaphore(%arg20 : memref<!tpu.dma_semaphore, #tpu.memory_space<semaphore_mem>>) src(%arg16 : memref<1x32x128xf32, #tpu.memory_space<vmem>>) dst(%dma_wait3A_378 : memref<1x32x128xf32, #tpu.memory_space<hbm>>)
      %scan3A_379 = arith.constant 0 : i32
      %scan3A_380 = arith.constant 0 : i32
      %scan3A_381 = arith.constant 128 : i32
      %scan3A_382 = arith.addi %scan3A_380, %scan3A_381 : i32
      %scan3A_383 = arith.constant 2 : i32
      %scan3A_384 = scf.for %scan3A_403 = %scan3A_380 to %scan3A_382 step %scan3A_383 iter_args(%scan3A_404 = %scan3A_379) -> (i32)  : i32 {
        %add3A_405 = vector.broadcast %scan3A_403 : i32 to vector<16xi32>
        %add3A_406 = arith.addi %mul3A_5, %add3A_405 : vector<16xi32>
        %get3A = arith.constant 0 : i32
        %get3A_407 = arith.index_cast %get3A : i32 to index
        %get3A_408 = arith.index_cast %scan3A_403 : i32 to index
        %get3A_409 = arith.constant 0 : index
        %get3A_410 = tpu.vector_load %arg8[%get3A_407, %get3A_408, %get3A_409] {strides = array<i32>} : memref<1x128x128xf32, #tpu.memory_space<vmem>>, vector<16xf32>,
        tpu.vector_store_idx %arg13[%mul3A_5, %iota3A_6, %add3A_406], %get3A_410 : memref<1x32x128xf32, #tpu.memory_space<vmem>>[vector<16xi32>, vector<16xi32>, vector<16xi32>], vector<16xf32>,
        %get3A_411 = arith.constant 0 : i32
        %get3A_412 = arith.index_cast %get3A_411 : i32 to index
        %get3A_413 = arith.index_cast %scan3A_403 : i32 to index
        %get3A_414 = arith.constant 16 : index
        %get3A_415 = tpu.vector_load %arg8[%get3A_412, %get3A_413, %get3A_414] {strides = array<i32>} : memref<1x128x128xf32, #tpu.memory_space<vmem>>, vector<16xf32>,
        tpu.vector_store_idx %arg13[%mul3A_5, %add3A_10, %add3A_406], %get3A_415 : memref<1x32x128xf32, #tpu.memory_space<vmem>>[vector<16xi32>, vector<16xi32>, vector<16xi32>], vector<16xf32>,
        %get3A_416 = arith.constant 0 : i32
        %get3A_417 = arith.index_cast %get3A_416 : i32 to index
        %get3A_418 = arith.index_cast %scan3A_403 : i32 to index
        %get3A_419 = arith.constant 32 : index
        %get3A_420 = tpu.vector_load %arg8[%get3A_417, %get3A_418, %get3A_419] {strides = array<i32>} : memref<1x128x128xf32, #tpu.memory_space<vmem>>, vector<16xf32>,
        tpu.vector_store_idx %arg14[%mul3A_5, %iota3A_6, %add3A_406], %get3A_420 : memref<1x32x128xf32, #tpu.memory_space<vmem>>[vector<16xi32>, vector<16xi32>, vector<16xi32>], vector<16xf32>,
        %get3A_421 = arith.constant 0 : i32
        %get3A_422 = arith.index_cast %get3A_421 : i32 to index
        %get3A_423 = arith.index_cast %scan3A_403 : i32 to index
        %get3A_424 = arith.constant 48 : index
        %get3A_425 = tpu.vector_load %arg8[%get3A_422, %get3A_423, %get3A_424] {strides = array<i32>} : memref<1x128x128xf32, #tpu.memory_space<vmem>>, vector<16xf32>,
        tpu.vector_store_idx %arg14[%mul3A_5, %add3A_10, %add3A_406], %get3A_425 : memref<1x32x128xf32, #tpu.memory_space<vmem>>[vector<16xi32>, vector<16xi32>, vector<16xi32>], vector<16xf32>,
        %get3A_426 = arith.constant 0 : i32
        %get3A_427 = arith.index_cast %get3A_426 : i32 to index
        %get3A_428 = arith.index_cast %scan3A_403 : i32 to index
        %get3A_429 = arith.constant 64 : index
        %get3A_430 = tpu.vector_load %arg8[%get3A_427, %get3A_428, %get3A_429] {strides = array<i32>} : memref<1x128x128xf32, #tpu.memory_space<vmem>>, vector<16xf32>,
        tpu.vector_store_idx %arg15[%mul3A_5, %iota3A_6, %add3A_406], %get3A_430 : memref<1x32x128xf32, #tpu.memory_space<vmem>>[vector<16xi32>, vector<16xi32>, vector<16xi32>], vector<16xf32>,
        %get3A_431 = arith.constant 0 : i32
        %get3A_432 = arith.index_cast %get3A_431 : i32 to index
        %get3A_433 = arith.index_cast %scan3A_403 : i32 to index
        %get3A_434 = arith.constant 80 : index
        %get3A_435 = tpu.vector_load %arg8[%get3A_432, %get3A_433, %get3A_434] {strides = array<i32>} : memref<1x128x128xf32, #tpu.memory_space<vmem>>, vector<16xf32>,
        tpu.vector_store_idx %arg15[%mul3A_5, %add3A_10, %add3A_406], %get3A_435 : memref<1x32x128xf32, #tpu.memory_space<vmem>>[vector<16xi32>, vector<16xi32>, vector<16xi32>], vector<16xf32>,
        %get3A_436 = arith.constant 0 : i32
        %get3A_437 = arith.index_cast %get3A_436 : i32 to index
        %get3A_438 = arith.index_cast %scan3A_403 : i32 to index
        %get3A_439 = arith.constant 96 : index
        %get3A_440 = tpu.vector_load %arg8[%get3A_437, %get3A_438, %get3A_439] {strides = array<i32>} : memref<1x128x128xf32, #tpu.memory_space<vmem>>, vector<16xf32>,
        tpu.vector_store_idx %arg16[%mul3A_5, %iota3A_6, %add3A_406], %get3A_440 : memref<1x32x128xf32, #tpu.memory_space<vmem>>[vector<16xi32>, vector<16xi32>, vector<16xi32>], vector<16xf32>,
        %get3A_441 = arith.constant 0 : i32
        %get3A_442 = arith.index_cast %get3A_441 : i32 to index
        %get3A_443 = arith.index_cast %scan3A_403 : i32 to index
        %get3A_444 = arith.constant 112 : index
        %get3A_445 = tpu.vector_load %arg8[%get3A_442, %get3A_443, %get3A_444] {strides = array<i32>} : memref<1x128x128xf32, #tpu.memory_space<vmem>>, vector<16xf32>,
        tpu.vector_store_idx %arg16[%mul3A_5, %add3A_10, %add3A_406], %get3A_445 : memref<1x32x128xf32, #tpu.memory_space<vmem>>[vector<16xi32>, vector<16xi32>, vector<16xi32>], vector<16xf32>,
        %scan3A_446 = arith.constant 0 : i32
        %scan3A_447 = arith.constant 1 : i32
        %scan3A_448 = arith.addi %scan3A_403, %scan3A_447 : i32
        %add3A_449 = vector.broadcast %scan3A_448 : i32 to vector<16xi32>
        %add3A_450 = arith.addi %mul3A_5, %add3A_449 : vector<16xi32>
        %get3A_451 = arith.constant 0 : i32
        %get3A_452 = arith.index_cast %get3A_451 : i32 to index
        %get3A_453 = arith.index_cast %scan3A_448 : i32 to index
        %get3A_454 = arith.constant 0 : index
        %get3A_455 = tpu.vector_load %arg8[%get3A_452, %get3A_453, %get3A_454] {strides = array<i32>} : memref<1x128x128xf32, #tpu.memory_space<vmem>>, vector<16xf32>,
        tpu.vector_store_idx %arg13[%mul3A_5, %iota3A_6, %add3A_450], %get3A_455 : memref<1x32x128xf32, #tpu.memory_space<vmem>>[vector<16xi32>, vector<16xi32>, vector<16xi32>], vector<16xf32>,
        %get3A_456 = arith.constant 0 : i32
        %get3A_457 = arith.index_cast %get3A_456 : i32 to index
        %get3A_458 = arith.index_cast %scan3A_448 : i32 to index
        %get3A_459 = arith.constant 16 : index
        %get3A_460 = tpu.vector_load %arg8[%get3A_457, %get3A_458, %get3A_459] {strides = array<i32>} : memref<1x128x128xf32, #tpu.memory_space<vmem>>, vector<16xf32>,
        tpu.vector_store_idx %arg13[%mul3A_5, %add3A_10, %add3A_450], %get3A_460 : memref<1x32x128xf32, #tpu.memory_space<vmem>>[vector<16xi32>, vector<16xi32>, vector<16xi32>], vector<16xf32>,
        %get3A_461 = arith.constant 0 : i32
        %get3A_462 = arith.index_cast %get3A_461 : i32 to index
        %get3A_463 = arith.index_cast %scan3A_448 : i32 to index
        %get3A_464 = arith.constant 32 : index
        %get3A_465 = tpu.vector_load %arg8[%get3A_462, %get3A_463, %get3A_464] {strides = array<i32>} : memref<1x128x128xf32, #tpu.memory_space<vmem>>, vector<16xf32>,
        tpu.vector_store_idx %arg14[%mul3A_5, %iota3A_6, %add3A_450], %get3A_465 : memref<1x32x128xf32, #tpu.memory_space<vmem>>[vector<16xi32>, vector<16xi32>, vector<16xi32>], vector<16xf32>,
        %get3A_466 = arith.constant 0 : i32
        %get3A_467 = arith.index_cast %get3A_466 : i32 to index
        %get3A_468 = arith.index_cast %scan3A_448 : i32 to index
        %get3A_469 = arith.constant 48 : index
        %get3A_470 = tpu.vector_load %arg8[%get3A_467, %get3A_468, %get3A_469] {strides = array<i32>} : memref<1x128x128xf32, #tpu.memory_space<vmem>>, vector<16xf32>,
        tpu.vector_store_idx %arg14[%mul3A_5, %add3A_10, %add3A_450], %get3A_470 : memref<1x32x128xf32, #tpu.memory_space<vmem>>[vector<16xi32>, vector<16xi32>, vector<16xi32>], vector<16xf32>,
        %get3A_471 = arith.constant 0 : i32
        %get3A_472 = arith.index_cast %get3A_471 : i32 to index
        %get3A_473 = arith.index_cast %scan3A_448 : i32 to index
        %get3A_474 = arith.constant 64 : index
        %get3A_475 = tpu.vector_load %arg8[%get3A_472, %get3A_473, %get3A_474] {strides = array<i32>} : memref<1x128x128xf32, #tpu.memory_space<vmem>>, vector<16xf32>,
        tpu.vector_store_idx %arg15[%mul3A_5, %iota3A_6, %add3A_450], %get3A_475 : memref<1x32x128xf32, #tpu.memory_space<vmem>>[vector<16xi32>, vector<16xi32>, vector<16xi32>], vector<16xf32>,
        %get3A_476 = arith.constant 0 : i32
        %get3A_477 = arith.index_cast %get3A_476 : i32 to index
        %get3A_478 = arith.index_cast %scan3A_448 : i32 to index
        %get3A_479 = arith.constant 80 : index
        %get3A_480 = tpu.vector_load %arg8[%get3A_477, %get3A_478, %get3A_479] {strides = array<i32>} : memref<1x128x128xf32, #tpu.memory_space<vmem>>, vector<16xf32>,
        tpu.vector_store_idx %arg15[%mul3A_5, %add3A_10, %add3A_450], %get3A_480 : memref<1x32x128xf32, #tpu.memory_space<vmem>>[vector<16xi32>, vector<16xi32>, vector<16xi32>], vector<16xf32>,
        %get3A_481 = arith.constant 0 : i32
        %get3A_482 = arith.index_cast %get3A_481 : i32 to index
        %get3A_483 = arith.index_cast %scan3A_448 : i32 to index
        %get3A_484 = arith.constant 96 : index
        %get3A_485 = tpu.vector_load %arg8[%get3A_482, %get3A_483, %get3A_484] {strides = array<i32>} : memref<1x128x128xf32, #tpu.memory_space<vmem>>, vector<16xf32>,
        tpu.vector_store_idx %arg16[%mul3A_5, %iota3A_6, %add3A_450], %get3A_485 : memref<1x32x128xf32, #tpu.memory_space<vmem>>[vector<16xi32>, vector<16xi32>, vector<16xi32>], vector<16xf32>,
        %get3A_486 = arith.constant 0 : i32
        %get3A_487 = arith.index_cast %get3A_486 : i32 to index
        %get3A_488 = arith.index_cast %scan3A_448 : i32 to index
        %get3A_489 = arith.constant 112 : index
        %get3A_490 = tpu.vector_load %arg8[%get3A_487, %get3A_488, %get3A_489] {strides = array<i32>} : memref<1x128x128xf32, #tpu.memory_space<vmem>>, vector<16xf32>,
        tpu.vector_store_idx %arg16[%mul3A_5, %add3A_10, %add3A_450], %get3A_490 : memref<1x32x128xf32, #tpu.memory_space<vmem>>[vector<16xi32>, vector<16xi32>, vector<16xi32>], vector<16xf32>,
        %scan3A_491 = arith.constant 0 : i32
        scf.yield %scan3A_491 : i32
      }
      %scan3A_385 = arith.constant 128 : i32
      %dma_start3A_386 = arith.constant 0 : i32
      %dma_start3A_387 = tpu.memref_slice %arg3[%add3A_344, %dma_start3A_386, %mul3A_2] : memref<50x32x4096xf32, #tpu.memory_space<hbm>> -> memref<1x32x128xf32, #tpu.memory_space<hbm>>
      %dma_start3A_388 = arith.constant 0 : i32
      %dma_start3A_389 = tpu.memref_slice %arg3[%add3A_344, %dma_start3A_388, %mul3A_2] : memref<50x32x4096xf32, #tpu.memory_space<hbm>> -> memref<1x32x128xf32, #tpu.memory_space<hbm>>
      tpu.enqueue_dma source(%arg13 : memref<1x32x128xf32, #tpu.memory_space<vmem>>) target(%dma_start3A_389 : memref<1x32x128xf32, #tpu.memory_space<hbm>>) target_semaphore(%arg20 : memref<!tpu.dma_semaphore, #tpu.memory_space<semaphore_mem>>)
      %dma_start3A_390 = arith.constant 0 : i32
      %dma_start3A_391 = tpu.memref_slice %arg4[%add3A_344, %dma_start3A_390, %mul3A_2] : memref<50x32x4096xf32, #tpu.memory_space<hbm>> -> memref<1x32x128xf32, #tpu.memory_space<hbm>>
      %dma_start3A_392 = arith.constant 0 : i32
      %dma_start3A_393 = tpu.memref_slice %arg4[%add3A_344, %dma_start3A_392, %mul3A_2] : memref<50x32x4096xf32, #tpu.memory_space<hbm>> -> memref<1x32x128xf32, #tpu.memory_space<hbm>>
      tpu.enqueue_dma source(%arg14 : memref<1x32x128xf32, #tpu.memory_space<vmem>>) target(%dma_start3A_393 : memref<1x32x128xf32, #tpu.memory_space<hbm>>) target_semaphore(%arg20 : memref<!tpu.dma_semaphore, #tpu.memory_space<semaphore_mem>>)
      %dma_start3A_394 = arith.constant 0 : i32
      %dma_start3A_395 = tpu.memref_slice %arg5[%add3A_344, %dma_start3A_394, %mul3A_2] : memref<50x32x4096xf32, #tpu.memory_space<hbm>> -> memref<1x32x128xf32, #tpu.memory_space<hbm>>
      %dma_start3A_396 = arith.constant 0 : i32
      %dma_start3A_397 = tpu.memref_slice %arg5[%add3A_344, %dma_start3A_396, %mul3A_2] : memref<50x32x4096xf32, #tpu.memory_space<hbm>> -> memref<1x32x128xf32, #tpu.memory_space<hbm>>
      tpu.enqueue_dma source(%arg15 : memref<1x32x128xf32, #tpu.memory_space<vmem>>) target(%dma_start3A_397 : memref<1x32x128xf32, #tpu.memory_space<hbm>>) target_semaphore(%arg20 : memref<!tpu.dma_semaphore, #tpu.memory_space<semaphore_mem>>)
      %dma_start3A_398 = arith.constant 0 : i32
      %dma_start3A_399 = tpu.memref_slice %arg6[%add3A_344, %dma_start3A_398, %mul3A_2] : memref<50x32x4096xf32, #tpu.memory_space<hbm>> -> memref<1x32x128xf32, #tpu.memory_space<hbm>>
      %dma_start3A_400 = arith.constant 0 : i32
      %dma_start3A_401 = tpu.memref_slice %arg6[%add3A_344, %dma_start3A_400, %mul3A_2] : memref<50x32x4096xf32, #tpu.memory_space<hbm>> -> memref<1x32x128xf32, #tpu.memory_space<hbm>>
      tpu.enqueue_dma source(%arg16 : memref<1x32x128xf32, #tpu.memory_space<vmem>>) target(%dma_start3A_401 : memref<1x32x128xf32, #tpu.memory_space<hbm>>) target_semaphore(%arg20 : memref<!tpu.dma_semaphore, #tpu.memory_space<semaphore_mem>>)
      %scan3A_402 = arith.constant 0 : i32
      scf.yield %scan3A_402 : i32
    }
    %scan3A_106 = arith.constant 23 : i32
    %dma_start3A_107 = arith.constant 49 : i32
    %dma_start3A_108 = arith.constant 0 : i32
    %dma_start3A_109 = tpu.memref_slice %arg2[%dma_start3A_107, %mul3A_2, %dma_start3A_108] : memref<50x4096x128xf32, #tpu.memory_space<hbm>> -> memref<1x128x128xf32, #tpu.memory_space<hbm>>
    %dma_start3A_110 = arith.constant 49 : i32
    %dma_start3A_111 = arith.constant 0 : i32
    %dma_start3A_112 = tpu.memref_slice %arg2[%dma_start3A_110, %mul3A_2, %dma_start3A_111] : memref<50x4096x128xf32, #tpu.memory_space<hbm>> -> memref<1x128x128xf32, #tpu.memory_space<hbm>>
    tpu.enqueue_dma source(%dma_start3A_112 : memref<1x128x128xf32, #tpu.memory_space<hbm>>) target(%arg8 : memref<1x128x128xf32, #tpu.memory_space<vmem>>) target_semaphore(%arg18 : memref<!tpu.dma_semaphore, #tpu.memory_space<semaphore_mem>>)
    %dma_wait3A_113 = arith.constant 48 : i32
    %dma_wait3A_114 = arith.constant 0 : i32
    %dma_wait3A_115 = tpu.memref_slice %arg2[%dma_wait3A_113, %mul3A_2, %dma_wait3A_114] : memref<50x4096x128xf32, #tpu.memory_space<hbm>> -> memref<1x128x128xf32, #tpu.memory_space<hbm>>
    %dma_wait3A_116 = arith.constant 48 : i32
    %dma_wait3A_117 = arith.constant 0 : i32
    %dma_wait3A_118 = tpu.memref_slice %arg2[%dma_wait3A_116, %mul3A_2, %dma_wait3A_117] : memref<50x4096x128xf32, #tpu.memory_space<hbm>> -> memref<1x128x128xf32, #tpu.memory_space<hbm>>
    tpu.wait_dma2 semaphore(%arg17 : memref<!tpu.dma_semaphore, #tpu.memory_space<semaphore_mem>>) src(%dma_wait3A_118 : memref<1x128x128xf32, #tpu.memory_space<hbm>>) dst(%arg7 : memref<1x128x128xf32, #tpu.memory_space<vmem>>)
    %dma_wait3A_119 = arith.constant 46 : i32
    %dma_wait3A_120 = arith.constant 0 : i32
    %dma_wait3A_121 = tpu.memref_slice %arg3[%dma_wait3A_119, %dma_wait3A_120, %mul3A_2] : memref<50x32x4096xf32, #tpu.memory_space<hbm>> -> memref<1x32x128xf32, #tpu.memory_space<hbm>>
    %dma_wait3A_122 = arith.constant 46 : i32
    %dma_wait3A_123 = arith.constant 0 : i32
    %dma_wait3A_124 = tpu.memref_slice %arg3[%dma_wait3A_122, %dma_wait3A_123, %mul3A_2] : memref<50x32x4096xf32, #tpu.memory_space<hbm>> -> memref<1x32x128xf32, #tpu.memory_space<hbm>>
    tpu.wait_dma2 semaphore(%arg19 : memref<!tpu.dma_semaphore, #tpu.memory_space<semaphore_mem>>) src(%arg9 : memref<1x32x128xf32, #tpu.memory_space<vmem>>) dst(%dma_wait3A_124 : memref<1x32x128xf32, #tpu.memory_space<hbm>>)
    %dma_wait3A_125 = arith.constant 46 : i32
    %dma_wait3A_126 = arith.constant 0 : i32
    %dma_wait3A_127 = tpu.memref_slice %arg4[%dma_wait3A_125, %dma_wait3A_126, %mul3A_2] : memref<50x32x4096xf32, #tpu.memory_space<hbm>> -> memref<1x32x128xf32, #tpu.memory_space<hbm>>
    %dma_wait3A_128 = arith.constant 46 : i32
    %dma_wait3A_129 = arith.constant 0 : i32
    %dma_wait3A_130 = tpu.memref_slice %arg4[%dma_wait3A_128, %dma_wait3A_129, %mul3A_2] : memref<50x32x4096xf32, #tpu.memory_space<hbm>> -> memref<1x32x128xf32, #tpu.memory_space<hbm>>
    tpu.wait_dma2 semaphore(%arg19 : memref<!tpu.dma_semaphore, #tpu.memory_space<semaphore_mem>>) src(%arg10 : memref<1x32x128xf32, #tpu.memory_space<vmem>>) dst(%dma_wait3A_130 : memref<1x32x128xf32, #tpu.memory_space<hbm>>)
    %dma_wait3A_131 = arith.constant 46 : i32
    %dma_wait3A_132 = arith.constant 0 : i32
    %dma_wait3A_133 = tpu.memref_slice %arg5[%dma_wait3A_131, %dma_wait3A_132, %mul3A_2] : memref<50x32x4096xf32, #tpu.memory_space<hbm>> -> memref<1x32x128xf32, #tpu.memory_space<hbm>>
    %dma_wait3A_134 = arith.constant 46 : i32
    %dma_wait3A_135 = arith.constant 0 : i32
    %dma_wait3A_136 = tpu.memref_slice %arg5[%dma_wait3A_134, %dma_wait3A_135, %mul3A_2] : memref<50x32x4096xf32, #tpu.memory_space<hbm>> -> memref<1x32x128xf32, #tpu.memory_space<hbm>>
    tpu.wait_dma2 semaphore(%arg19 : memref<!tpu.dma_semaphore, #tpu.memory_space<semaphore_mem>>) src(%arg11 : memref<1x32x128xf32, #tpu.memory_space<vmem>>) dst(%dma_wait3A_136 : memref<1x32x128xf32, #tpu.memory_space<hbm>>)
    %dma_wait3A_137 = arith.constant 46 : i32
    %dma_wait3A_138 = arith.constant 0 : i32
    %dma_wait3A_139 = tpu.memref_slice %arg6[%dma_wait3A_137, %dma_wait3A_138, %mul3A_2] : memref<50x32x4096xf32, #tpu.memory_space<hbm>> -> memref<1x32x128xf32, #tpu.memory_space<hbm>>
    %dma_wait3A_140 = arith.constant 46 : i32
    %dma_wait3A_141 = arith.constant 0 : i32
    %dma_wait3A_142 = tpu.memref_slice %arg6[%dma_wait3A_140, %dma_wait3A_141, %mul3A_2] : memref<50x32x4096xf32, #tpu.memory_space<hbm>> -> memref<1x32x128xf32, #tpu.memory_space<hbm>>
    tpu.wait_dma2 semaphore(%arg19 : memref<!tpu.dma_semaphore, #tpu.memory_space<semaphore_mem>>) src(%arg12 : memref<1x32x128xf32, #tpu.memory_space<vmem>>) dst(%dma_wait3A_142 : memref<1x32x128xf32, #tpu.memory_space<hbm>>)
    %scan3A_143 = arith.constant 0 : i32
    %scan3A_144 = arith.constant 0 : i32
    %scan3A_145 = arith.constant 128 : i32
    %scan3A_146 = arith.addi %scan3A_144, %scan3A_145 : i32
    %scan3A_147 = arith.constant 2 : i32
    %scan3A_148 = scf.for %scan3A_283 = %scan3A_144 to %scan3A_146 step %scan3A_147 iter_args(%scan3A_284 = %scan3A_143) -> (i32)  : i32 {
      %add3A_285 = vector.broadcast %scan3A_283 : i32 to vector<16xi32>
      %add3A_286 = arith.addi %mul3A_5, %add3A_285 : vector<16xi32>
      %get3A = arith.constant 0 : i32
      %get3A_287 = arith.index_cast %get3A : i32 to index
      %get3A_288 = arith.index_cast %scan3A_283 : i32 to index
      %get3A_289 = arith.constant 0 : index
      %get3A_290 = tpu.vector_load %arg7[%get3A_287, %get3A_288, %get3A_289] {strides = array<i32>} : memref<1x128x128xf32, #tpu.memory_space<vmem>>, vector<16xf32>,
      tpu.vector_store_idx %arg9[%mul3A_5, %iota3A_6, %add3A_286], %get3A_290 : memref<1x32x128xf32, #tpu.memory_space<vmem>>[vector<16xi32>, vector<16xi32>, vector<16xi32>], vector<16xf32>,
      %get3A_291 = arith.constant 0 : i32
      %get3A_292 = arith.index_cast %get3A_291 : i32 to index
      %get3A_293 = arith.index_cast %scan3A_283 : i32 to index
      %get3A_294 = arith.constant 16 : index
      %get3A_295 = tpu.vector_load %arg7[%get3A_292, %get3A_293, %get3A_294] {strides = array<i32>} : memref<1x128x128xf32, #tpu.memory_space<vmem>>, vector<16xf32>,
      tpu.vector_store_idx %arg9[%mul3A_5, %add3A_10, %add3A_286], %get3A_295 : memref<1x32x128xf32, #tpu.memory_space<vmem>>[vector<16xi32>, vector<16xi32>, vector<16xi32>], vector<16xf32>,
      %get3A_296 = arith.constant 0 : i32
      %get3A_297 = arith.index_cast %get3A_296 : i32 to index
      %get3A_298 = arith.index_cast %scan3A_283 : i32 to index
      %get3A_299 = arith.constant 32 : index
      %get3A_300 = tpu.vector_load %arg7[%get3A_297, %get3A_298, %get3A_299] {strides = array<i32>} : memref<1x128x128xf32, #tpu.memory_space<vmem>>, vector<16xf32>,
      tpu.vector_store_idx %arg10[%mul3A_5, %iota3A_6, %add3A_286], %get3A_300 : memref<1x32x128xf32, #tpu.memory_space<vmem>>[vector<16xi32>, vector<16xi32>, vector<16xi32>], vector<16xf32>,
      %get3A_301 = arith.constant 0 : i32
      %get3A_302 = arith.index_cast %get3A_301 : i32 to index
      %get3A_303 = arith.index_cast %scan3A_283 : i32 to index
      %get3A_304 = arith.constant 48 : index
      %get3A_305 = tpu.vector_load %arg7[%get3A_302, %get3A_303, %get3A_304] {strides = array<i32>} : memref<1x128x128xf32, #tpu.memory_space<vmem>>, vector<16xf32>,
      tpu.vector_store_idx %arg10[%mul3A_5, %add3A_10, %add3A_286], %get3A_305 : memref<1x32x128xf32, #tpu.memory_space<vmem>>[vector<16xi32>, vector<16xi32>, vector<16xi32>], vector<16xf32>,
      %get3A_306 = arith.constant 0 : i32
      %get3A_307 = arith.index_cast %get3A_306 : i32 to index
      %get3A_308 = arith.index_cast %scan3A_283 : i32 to index
      %get3A_309 = arith.constant 64 : index
      %get3A_310 = tpu.vector_load %arg7[%get3A_307, %get3A_308, %get3A_309] {strides = array<i32>} : memref<1x128x128xf32, #tpu.memory_space<vmem>>, vector<16xf32>,
      tpu.vector_store_idx %arg11[%mul3A_5, %iota3A_6, %add3A_286], %get3A_310 : memref<1x32x128xf32, #tpu.memory_space<vmem>>[vector<16xi32>, vector<16xi32>, vector<16xi32>], vector<16xf32>,
      %get3A_311 = arith.constant 0 : i32
      %get3A_312 = arith.index_cast %get3A_311 : i32 to index
      %get3A_313 = arith.index_cast %scan3A_283 : i32 to index
      %get3A_314 = arith.constant 80 : index
      %get3A_315 = tpu.vector_load %arg7[%get3A_312, %get3A_313, %get3A_314] {strides = array<i32>} : memref<1x128x128xf32, #tpu.memory_space<vmem>>, vector<16xf32>,
      tpu.vector_store_idx %arg11[%mul3A_5, %add3A_10, %add3A_286], %get3A_315 : memref<1x32x128xf32, #tpu.memory_space<vmem>>[vector<16xi32>, vector<16xi32>, vector<16xi32>], vector<16xf32>,
      %get3A_316 = arith.constant 0 : i32
      %get3A_317 = arith.index_cast %get3A_316 : i32 to index
      %get3A_318 = arith.index_cast %scan3A_283 : i32 to index
      %get3A_319 = arith.constant 96 : index
      %get3A_320 = tpu.vector_load %arg7[%get3A_317, %get3A_318, %get3A_319] {strides = array<i32>} : memref<1x128x128xf32, #tpu.memory_space<vmem>>, vector<16xf32>,
      tpu.vector_store_idx %arg12[%mul3A_5, %iota3A_6, %add3A_286], %get3A_320 : memref<1x32x128xf32, #tpu.memory_space<vmem>>[vector<16xi32>, vector<16xi32>, vector<16xi32>], vector<16xf32>,
      %get3A_321 = arith.constant 0 : i32
      %get3A_322 = arith.index_cast %get3A_321 : i32 to index
      %get3A_323 = arith.index_cast %scan3A_283 : i32 to index
      %get3A_324 = arith.constant 112 : index
      %get3A_325 = tpu.vector_load %arg7[%get3A_322, %get3A_323, %get3A_324] {strides = array<i32>} : memref<1x128x128xf32, #tpu.memory_space<vmem>>, vector<16xf32>,
      tpu.vector_store_idx %arg12[%mul3A_5, %add3A_10, %add3A_286], %get3A_325 : memref<1x32x128xf32, #tpu.memory_space<vmem>>[vector<16xi32>, vector<16xi32>, vector<16xi32>], vector<16xf32>,
      %scan3A_326 = arith.constant 0 : i32
      %scan3A_327 = arith.constant 1 : i32
      %scan3A_328 = arith.addi %scan3A_283, %scan3A_327 : i32
      %add3A_329 = vector.broadcast %scan3A_328 : i32 to vector<16xi32>
      %add3A_330 = arith.addi %mul3A_5, %add3A_329 : vector<16xi32>
      %get3A_331 = arith.constant 0 : i32
      %get3A_332 = arith.index_cast %get3A_331 : i32 to index
      %get3A_333 = arith.index_cast %scan3A_328 : i32 to index
      %get3A_334 = arith.constant 0 : index
      %get3A_335 = tpu.vector_load %arg7[%get3A_332, %get3A_333, %get3A_334] {strides = array<i32>} : memref<1x128x128xf32, #tpu.memory_space<vmem>>, vector<16xf32>,
      tpu.vector_store_idx %arg9[%mul3A_5, %iota3A_6, %add3A_330], %get3A_335 : memref<1x32x128xf32, #tpu.memory_space<vmem>>[vector<16xi32>, vector<16xi32>, vector<16xi32>], vector<16xf32>,
      %get3A_336 = arith.constant 0 : i32
      %get3A_337 = arith.index_cast %get3A_336 : i32 to index
      %get3A_338 = arith.index_cast %scan3A_328 : i32 to index
      %get3A_339 = arith.constant 16 : index
      %get3A_340 = tpu.vector_load %arg7[%get3A_337, %get3A_338, %get3A_339] {strides = array<i32>} : memref<1x128x128xf32, #tpu.memory_space<vmem>>, vector<16xf32>,
      tpu.vector_store_idx %arg9[%mul3A_5, %add3A_10, %add3A_330], %get3A_340 : memref<1x32x128xf32, #tpu.memory_space<vmem>>[vector<16xi32>, vector<16xi32>, vector<16xi32>], vector<16xf32>,
      %get3A_341 = arith.constant 0 : i32
      %get3A_342 = arith.index_cast %get3A_341 : i32 to index
      %get3A_343 = arith.index_cast %scan3A_328 : i32 to index
      %get3A_344 = arith.constant 32 : index
      %get3A_345 = tpu.vector_load %arg7[%get3A_342, %get3A_343, %get3A_344] {strides = array<i32>} : memref<1x128x128xf32, #tpu.memory_space<vmem>>, vector<16xf32>,
      tpu.vector_store_idx %arg10[%mul3A_5, %iota3A_6, %add3A_330], %get3A_345 : memref<1x32x128xf32, #tpu.memory_space<vmem>>[vector<16xi32>, vector<16xi32>, vector<16xi32>], vector<16xf32>,
      %get3A_346 = arith.constant 0 : i32
      %get3A_347 = arith.index_cast %get3A_346 : i32 to index
      %get3A_348 = arith.index_cast %scan3A_328 : i32 to index
      %get3A_349 = arith.constant 48 : index
      %get3A_350 = tpu.vector_load %arg7[%get3A_347, %get3A_348, %get3A_349] {strides = array<i32>} : memref<1x128x128xf32, #tpu.memory_space<vmem>>, vector<16xf32>,
      tpu.vector_store_idx %arg10[%mul3A_5, %add3A_10, %add3A_330], %get3A_350 : memref<1x32x128xf32, #tpu.memory_space<vmem>>[vector<16xi32>, vector<16xi32>, vector<16xi32>], vector<16xf32>,
      %get3A_351 = arith.constant 0 : i32
      %get3A_352 = arith.index_cast %get3A_351 : i32 to index
      %get3A_353 = arith.index_cast %scan3A_328 : i32 to index
      %get3A_354 = arith.constant 64 : index
      %get3A_355 = tpu.vector_load %arg7[%get3A_352, %get3A_353, %get3A_354] {strides = array<i32>} : memref<1x128x128xf32, #tpu.memory_space<vmem>>, vector<16xf32>,
      tpu.vector_store_idx %arg11[%mul3A_5, %iota3A_6, %add3A_330], %get3A_355 : memref<1x32x128xf32, #tpu.memory_space<vmem>>[vector<16xi32>, vector<16xi32>, vector<16xi32>], vector<16xf32>,
      %get3A_356 = arith.constant 0 : i32
      %get3A_357 = arith.index_cast %get3A_356 : i32 to index
      %get3A_358 = arith.index_cast %scan3A_328 : i32 to index
      %get3A_359 = arith.constant 80 : index
      %get3A_360 = tpu.vector_load %arg7[%get3A_357, %get3A_358, %get3A_359] {strides = array<i32>} : memref<1x128x128xf32, #tpu.memory_space<vmem>>, vector<16xf32>,
      tpu.vector_store_idx %arg11[%mul3A_5, %add3A_10, %add3A_330], %get3A_360 : memref<1x32x128xf32, #tpu.memory_space<vmem>>[vector<16xi32>, vector<16xi32>, vector<16xi32>], vector<16xf32>,
      %get3A_361 = arith.constant 0 : i32
      %get3A_362 = arith.index_cast %get3A_361 : i32 to index
      %get3A_363 = arith.index_cast %scan3A_328 : i32 to index
      %get3A_364 = arith.constant 96 : index
      %get3A_365 = tpu.vector_load %arg7[%get3A_362, %get3A_363, %get3A_364] {strides = array<i32>} : memref<1x128x128xf32, #tpu.memory_space<vmem>>, vector<16xf32>,
      tpu.vector_store_idx %arg12[%mul3A_5, %iota3A_6, %add3A_330], %get3A_365 : memref<1x32x128xf32, #tpu.memory_space<vmem>>[vector<16xi32>, vector<16xi32>, vector<16xi32>], vector<16xf32>,
      %get3A_366 = arith.constant 0 : i32
      %get3A_367 = arith.index_cast %get3A_366 : i32 to index
      %get3A_368 = arith.index_cast %scan3A_328 : i32 to index
      %get3A_369 = arith.constant 112 : index
      %get3A_370 = tpu.vector_load %arg7[%get3A_367, %get3A_368, %get3A_369] {strides = array<i32>} : memref<1x128x128xf32, #tpu.memory_space<vmem>>, vector<16xf32>,
      tpu.vector_store_idx %arg12[%mul3A_5, %add3A_10, %add3A_330], %get3A_370 : memref<1x32x128xf32, #tpu.memory_space<vmem>>[vector<16xi32>, vector<16xi32>, vector<16xi32>], vector<16xf32>,
      %scan3A_371 = arith.constant 0 : i32
      scf.yield %scan3A_371 : i32
    }
    %scan3A_149 = arith.constant 128 : i32
    %dma_start3A_150 = arith.constant 48 : i32
    %dma_start3A_151 = arith.constant 0 : i32
    %dma_start3A_152 = tpu.memref_slice %arg3[%dma_start3A_150, %dma_start3A_151, %mul3A_2] : memref<50x32x4096xf32, #tpu.memory_space<hbm>> -> memref<1x32x128xf32, #tpu.memory_space<hbm>>
    %dma_start3A_153 = arith.constant 48 : i32
    %dma_start3A_154 = arith.constant 0 : i32
    %dma_start3A_155 = tpu.memref_slice %arg3[%dma_start3A_153, %dma_start3A_154, %mul3A_2] : memref<50x32x4096xf32, #tpu.memory_space<hbm>> -> memref<1x32x128xf32, #tpu.memory_space<hbm>>
    tpu.enqueue_dma source(%arg9 : memref<1x32x128xf32, #tpu.memory_space<vmem>>) target(%dma_start3A_155 : memref<1x32x128xf32, #tpu.memory_space<hbm>>) target_semaphore(%arg19 : memref<!tpu.dma_semaphore, #tpu.memory_space<semaphore_mem>>)
    %dma_start3A_156 = arith.constant 48 : i32
    %dma_start3A_157 = arith.constant 0 : i32
    %dma_start3A_158 = tpu.memref_slice %arg4[%dma_start3A_156, %dma_start3A_157, %mul3A_2] : memref<50x32x4096xf32, #tpu.memory_space<hbm>> -> memref<1x32x128xf32, #tpu.memory_space<hbm>>
    %dma_start3A_159 = arith.constant 48 : i32
    %dma_start3A_160 = arith.constant 0 : i32
    %dma_start3A_161 = tpu.memref_slice %arg4[%dma_start3A_159, %dma_start3A_160, %mul3A_2] : memref<50x32x4096xf32, #tpu.memory_space<hbm>> -> memref<1x32x128xf32, #tpu.memory_space<hbm>>
    tpu.enqueue_dma source(%arg10 : memref<1x32x128xf32, #tpu.memory_space<vmem>>) target(%dma_start3A_161 : memref<1x32x128xf32, #tpu.memory_space<hbm>>) target_semaphore(%arg19 : memref<!tpu.dma_semaphore, #tpu.memory_space<semaphore_mem>>)
    %dma_start3A_162 = arith.constant 48 : i32
    %dma_start3A_163 = arith.constant 0 : i32
    %dma_start3A_164 = tpu.memref_slice %arg5[%dma_start3A_162, %dma_start3A_163, %mul3A_2] : memref<50x32x4096xf32, #tpu.memory_space<hbm>> -> memref<1x32x128xf32, #tpu.memory_space<hbm>>
    %dma_start3A_165 = arith.constant 48 : i32
    %dma_start3A_166 = arith.constant 0 : i32
    %dma_start3A_167 = tpu.memref_slice %arg5[%dma_start3A_165, %dma_start3A_166, %mul3A_2] : memref<50x32x4096xf32, #tpu.memory_space<hbm>> -> memref<1x32x128xf32, #tpu.memory_space<hbm>>
    tpu.enqueue_dma source(%arg11 : memref<1x32x128xf32, #tpu.memory_space<vmem>>) target(%dma_start3A_167 : memref<1x32x128xf32, #tpu.memory_space<hbm>>) target_semaphore(%arg19 : memref<!tpu.dma_semaphore, #tpu.memory_space<semaphore_mem>>)
    %dma_start3A_168 = arith.constant 48 : i32
    %dma_start3A_169 = arith.constant 0 : i32
    %dma_start3A_170 = tpu.memref_slice %arg6[%dma_start3A_168, %dma_start3A_169, %mul3A_2] : memref<50x32x4096xf32, #tpu.memory_space<hbm>> -> memref<1x32x128xf32, #tpu.memory_space<hbm>>
    %dma_start3A_171 = arith.constant 48 : i32
    %dma_start3A_172 = arith.constant 0 : i32
    %dma_start3A_173 = tpu.memref_slice %arg6[%dma_start3A_171, %dma_start3A_172, %mul3A_2] : memref<50x32x4096xf32, #tpu.memory_space<hbm>> -> memref<1x32x128xf32, #tpu.memory_space<hbm>>
    tpu.enqueue_dma source(%arg12 : memref<1x32x128xf32, #tpu.memory_space<vmem>>) target(%dma_start3A_173 : memref<1x32x128xf32, #tpu.memory_space<hbm>>) target_semaphore(%arg19 : memref<!tpu.dma_semaphore, #tpu.memory_space<semaphore_mem>>)
    %dma_wait3A_174 = arith.constant 49 : i32
    %dma_wait3A_175 = arith.constant 0 : i32
    %dma_wait3A_176 = tpu.memref_slice %arg2[%dma_wait3A_174, %mul3A_2, %dma_wait3A_175] : memref<50x4096x128xf32, #tpu.memory_space<hbm>> -> memref<1x128x128xf32, #tpu.memory_space<hbm>>
    %dma_wait3A_177 = arith.constant 49 : i32
    %dma_wait3A_178 = arith.constant 0 : i32
    %dma_wait3A_179 = tpu.memref_slice %arg2[%dma_wait3A_177, %mul3A_2, %dma_wait3A_178] : memref<50x4096x128xf32, #tpu.memory_space<hbm>> -> memref<1x128x128xf32, #tpu.memory_space<hbm>>
    tpu.wait_dma2 semaphore(%arg18 : memref<!tpu.dma_semaphore, #tpu.memory_space<semaphore_mem>>) src(%dma_wait3A_179 : memref<1x128x128xf32, #tpu.memory_space<hbm>>) dst(%arg8 : memref<1x128x128xf32, #tpu.memory_space<vmem>>)
    %dma_wait3A_180 = arith.constant 47 : i32
    %dma_wait3A_181 = arith.constant 0 : i32
    %dma_wait3A_182 = tpu.memref_slice %arg3[%dma_wait3A_180, %dma_wait3A_181, %mul3A_2] : memref<50x32x4096xf32, #tpu.memory_space<hbm>> -> memref<1x32x128xf32, #tpu.memory_space<hbm>>
    %dma_wait3A_183 = arith.constant 47 : i32
    %dma_wait3A_184 = arith.constant 0 : i32
    %dma_wait3A_185 = tpu.memref_slice %arg3[%dma_wait3A_183, %dma_wait3A_184, %mul3A_2] : memref<50x32x4096xf32, #tpu.memory_space<hbm>> -> memref<1x32x128xf32, #tpu.memory_space<hbm>>
    tpu.wait_dma2 semaphore(%arg20 : memref<!tpu.dma_semaphore, #tpu.memory_space<semaphore_mem>>) src(%arg13 : memref<1x32x128xf32, #tpu.memory_space<vmem>>) dst(%dma_wait3A_185 : memref<1x32x128xf32, #tpu.memory_space<hbm>>)
    %dma_wait3A_186 = arith.constant 47 : i32
    %dma_wait3A_187 = arith.constant 0 : i32
    %dma_wait3A_188 = tpu.memref_slice %arg4[%dma_wait3A_186, %dma_wait3A_187, %mul3A_2] : memref<50x32x4096xf32, #tpu.memory_space<hbm>> -> memref<1x32x128xf32, #tpu.memory_space<hbm>>
    %dma_wait3A_189 = arith.constant 47 : i32
    %dma_wait3A_190 = arith.constant 0 : i32
    %dma_wait3A_191 = tpu.memref_slice %arg4[%dma_wait3A_189, %dma_wait3A_190, %mul3A_2] : memref<50x32x4096xf32, #tpu.memory_space<hbm>> -> memref<1x32x128xf32, #tpu.memory_space<hbm>>
    tpu.wait_dma2 semaphore(%arg20 : memref<!tpu.dma_semaphore, #tpu.memory_space<semaphore_mem>>) src(%arg14 : memref<1x32x128xf32, #tpu.memory_space<vmem>>) dst(%dma_wait3A_191 : memref<1x32x128xf32, #tpu.memory_space<hbm>>)
    %dma_wait3A_192 = arith.constant 47 : i32
    %dma_wait3A_193 = arith.constant 0 : i32
    %dma_wait3A_194 = tpu.memref_slice %arg5[%dma_wait3A_192, %dma_wait3A_193, %mul3A_2] : memref<50x32x4096xf32, #tpu.memory_space<hbm>> -> memref<1x32x128xf32, #tpu.memory_space<hbm>>
    %dma_wait3A_195 = arith.constant 47 : i32
    %dma_wait3A_196 = arith.constant 0 : i32
    %dma_wait3A_197 = tpu.memref_slice %arg5[%dma_wait3A_195, %dma_wait3A_196, %mul3A_2] : memref<50x32x4096xf32, #tpu.memory_space<hbm>> -> memref<1x32x128xf32, #tpu.memory_space<hbm>>
    tpu.wait_dma2 semaphore(%arg20 : memref<!tpu.dma_semaphore, #tpu.memory_space<semaphore_mem>>) src(%arg15 : memref<1x32x128xf32, #tpu.memory_space<vmem>>) dst(%dma_wait3A_197 : memref<1x32x128xf32, #tpu.memory_space<hbm>>)
    %dma_wait3A_198 = arith.constant 47 : i32
    %dma_wait3A_199 = arith.constant 0 : i32
    %dma_wait3A_200 = tpu.memref_slice %arg6[%dma_wait3A_198, %dma_wait3A_199, %mul3A_2] : memref<50x32x4096xf32, #tpu.memory_space<hbm>> -> memref<1x32x128xf32, #tpu.memory_space<hbm>>
    %dma_wait3A_201 = arith.constant 47 : i32
    %dma_wait3A_202 = arith.constant 0 : i32
    %dma_wait3A_203 = tpu.memref_slice %arg6[%dma_wait3A_201, %dma_wait3A_202, %mul3A_2] : memref<50x32x4096xf32, #tpu.memory_space<hbm>> -> memref<1x32x128xf32, #tpu.memory_space<hbm>>
    tpu.wait_dma2 semaphore(%arg20 : memref<!tpu.dma_semaphore, #tpu.memory_space<semaphore_mem>>) src(%arg16 : memref<1x32x128xf32, #tpu.memory_space<vmem>>) dst(%dma_wait3A_203 : memref<1x32x128xf32, #tpu.memory_space<hbm>>)
    %scan3A_204 = arith.constant 0 : i32
    %scan3A_205 = arith.constant 0 : i32
    %scan3A_206 = arith.constant 128 : i32
    %scan3A_207 = arith.addi %scan3A_205, %scan3A_206 : i32
    %scan3A_208 = arith.constant 2 : i32
    %scan3A_209 = scf.for %scan3A_283 = %scan3A_205 to %scan3A_207 step %scan3A_208 iter_args(%scan3A_284 = %scan3A_204) -> (i32)  : i32 {
      %add3A_285 = vector.broadcast %scan3A_283 : i32 to vector<16xi32>
      %add3A_286 = arith.addi %mul3A_5, %add3A_285 : vector<16xi32>
      %get3A = arith.constant 0 : i32
      %get3A_287 = arith.index_cast %get3A : i32 to index
      %get3A_288 = arith.index_cast %scan3A_283 : i32 to index
      %get3A_289 = arith.constant 0 : index
      %get3A_290 = tpu.vector_load %arg8[%get3A_287, %get3A_288, %get3A_289] {strides = array<i32>} : memref<1x128x128xf32, #tpu.memory_space<vmem>>, vector<16xf32>,
      tpu.vector_store_idx %arg13[%mul3A_5, %iota3A_6, %add3A_286], %get3A_290 : memref<1x32x128xf32, #tpu.memory_space<vmem>>[vector<16xi32>, vector<16xi32>, vector<16xi32>], vector<16xf32>,
      %get3A_291 = arith.constant 0 : i32
      %get3A_292 = arith.index_cast %get3A_291 : i32 to index
      %get3A_293 = arith.index_cast %scan3A_283 : i32 to index
      %get3A_294 = arith.constant 16 : index
      %get3A_295 = tpu.vector_load %arg8[%get3A_292, %get3A_293, %get3A_294] {strides = array<i32>} : memref<1x128x128xf32, #tpu.memory_space<vmem>>, vector<16xf32>,
      tpu.vector_store_idx %arg13[%mul3A_5, %add3A_10, %add3A_286], %get3A_295 : memref<1x32x128xf32, #tpu.memory_space<vmem>>[vector<16xi32>, vector<16xi32>, vector<16xi32>], vector<16xf32>,
      %get3A_296 = arith.constant 0 : i32
      %get3A_297 = arith.index_cast %get3A_296 : i32 to index
      %get3A_298 = arith.index_cast %scan3A_283 : i32 to index
      %get3A_299 = arith.constant 32 : index
      %get3A_300 = tpu.vector_load %arg8[%get3A_297, %get3A_298, %get3A_299] {strides = array<i32>} : memref<1x128x128xf32, #tpu.memory_space<vmem>>, vector<16xf32>,
      tpu.vector_store_idx %arg14[%mul3A_5, %iota3A_6, %add3A_286], %get3A_300 : memref<1x32x128xf32, #tpu.memory_space<vmem>>[vector<16xi32>, vector<16xi32>, vector<16xi32>], vector<16xf32>,
      %get3A_301 = arith.constant 0 : i32
      %get3A_302 = arith.index_cast %get3A_301 : i32 to index
      %get3A_303 = arith.index_cast %scan3A_283 : i32 to index
      %get3A_304 = arith.constant 48 : index
      %get3A_305 = tpu.vector_load %arg8[%get3A_302, %get3A_303, %get3A_304] {strides = array<i32>} : memref<1x128x128xf32, #tpu.memory_space<vmem>>, vector<16xf32>,
      tpu.vector_store_idx %arg14[%mul3A_5, %add3A_10, %add3A_286], %get3A_305 : memref<1x32x128xf32, #tpu.memory_space<vmem>>[vector<16xi32>, vector<16xi32>, vector<16xi32>], vector<16xf32>,
      %get3A_306 = arith.constant 0 : i32
      %get3A_307 = arith.index_cast %get3A_306 : i32 to index
      %get3A_308 = arith.index_cast %scan3A_283 : i32 to index
      %get3A_309 = arith.constant 64 : index
      %get3A_310 = tpu.vector_load %arg8[%get3A_307, %get3A_308, %get3A_309] {strides = array<i32>} : memref<1x128x128xf32, #tpu.memory_space<vmem>>, vector<16xf32>,
      tpu.vector_store_idx %arg15[%mul3A_5, %iota3A_6, %add3A_286], %get3A_310 : memref<1x32x128xf32, #tpu.memory_space<vmem>>[vector<16xi32>, vector<16xi32>, vector<16xi32>], vector<16xf32>,
      %get3A_311 = arith.constant 0 : i32
      %get3A_312 = arith.index_cast %get3A_311 : i32 to index
      %get3A_313 = arith.index_cast %scan3A_283 : i32 to index
      %get3A_314 = arith.constant 80 : index
      %get3A_315 = tpu.vector_load %arg8[%get3A_312, %get3A_313, %get3A_314] {strides = array<i32>} : memref<1x128x128xf32, #tpu.memory_space<vmem>>, vector<16xf32>,
      tpu.vector_store_idx %arg15[%mul3A_5, %add3A_10, %add3A_286], %get3A_315 : memref<1x32x128xf32, #tpu.memory_space<vmem>>[vector<16xi32>, vector<16xi32>, vector<16xi32>], vector<16xf32>,
      %get3A_316 = arith.constant 0 : i32
      %get3A_317 = arith.index_cast %get3A_316 : i32 to index
      %get3A_318 = arith.index_cast %scan3A_283 : i32 to index
      %get3A_319 = arith.constant 96 : index
      %get3A_320 = tpu.vector_load %arg8[%get3A_317, %get3A_318, %get3A_319] {strides = array<i32>} : memref<1x128x128xf32, #tpu.memory_space<vmem>>, vector<16xf32>,
      tpu.vector_store_idx %arg16[%mul3A_5, %iota3A_6, %add3A_286], %get3A_320 : memref<1x32x128xf32, #tpu.memory_space<vmem>>[vector<16xi32>, vector<16xi32>, vector<16xi32>], vector<16xf32>,
      %get3A_321 = arith.constant 0 : i32
      %get3A_322 = arith.index_cast %get3A_321 : i32 to index
      %get3A_323 = arith.index_cast %scan3A_283 : i32 to index
      %get3A_324 = arith.constant 112 : index
      %get3A_325 = tpu.vector_load %arg8[%get3A_322, %get3A_323, %get3A_324] {strides = array<i32>} : memref<1x128x128xf32, #tpu.memory_space<vmem>>, vector<16xf32>,
      tpu.vector_store_idx %arg16[%mul3A_5, %add3A_10, %add3A_286], %get3A_325 : memref<1x32x128xf32, #tpu.memory_space<vmem>>[vector<16xi32>, vector<16xi32>, vector<16xi32>], vector<16xf32>,
      %scan3A_326 = arith.constant 0 : i32
      %scan3A_327 = arith.constant 1 : i32
      %scan3A_328 = arith.addi %scan3A_283, %scan3A_327 : i32
      %add3A_329 = vector.broadcast %scan3A_328 : i32 to vector<16xi32>
      %add3A_330 = arith.addi %mul3A_5, %add3A_329 : vector<16xi32>
      %get3A_331 = arith.constant 0 : i32
      %get3A_332 = arith.index_cast %get3A_331 : i32 to index
      %get3A_333 = arith.index_cast %scan3A_328 : i32 to index
      %get3A_334 = arith.constant 0 : index
      %get3A_335 = tpu.vector_load %arg8[%get3A_332, %get3A_333, %get3A_334] {strides = array<i32>} : memref<1x128x128xf32, #tpu.memory_space<vmem>>, vector<16xf32>,
      tpu.vector_store_idx %arg13[%mul3A_5, %iota3A_6, %add3A_330], %get3A_335 : memref<1x32x128xf32, #tpu.memory_space<vmem>>[vector<16xi32>, vector<16xi32>, vector<16xi32>], vector<16xf32>,
      %get3A_336 = arith.constant 0 : i32
      %get3A_337 = arith.index_cast %get3A_336 : i32 to index
      %get3A_338 = arith.index_cast %scan3A_328 : i32 to index
      %get3A_339 = arith.constant 16 : index
      %get3A_340 = tpu.vector_load %arg8[%get3A_337, %get3A_338, %get3A_339] {strides = array<i32>} : memref<1x128x128xf32, #tpu.memory_space<vmem>>, vector<16xf32>,
      tpu.vector_store_idx %arg13[%mul3A_5, %add3A_10, %add3A_330], %get3A_340 : memref<1x32x128xf32, #tpu.memory_space<vmem>>[vector<16xi32>, vector<16xi32>, vector<16xi32>], vector<16xf32>,
      %get3A_341 = arith.constant 0 : i32
      %get3A_342 = arith.index_cast %get3A_341 : i32 to index
      %get3A_343 = arith.index_cast %scan3A_328 : i32 to index
      %get3A_344 = arith.constant 32 : index
      %get3A_345 = tpu.vector_load %arg8[%get3A_342, %get3A_343, %get3A_344] {strides = array<i32>} : memref<1x128x128xf32, #tpu.memory_space<vmem>>, vector<16xf32>,
      tpu.vector_store_idx %arg14[%mul3A_5, %iota3A_6, %add3A_330], %get3A_345 : memref<1x32x128xf32, #tpu.memory_space<vmem>>[vector<16xi32>, vector<16xi32>, vector<16xi32>], vector<16xf32>,
      %get3A_346 = arith.constant 0 : i32
      %get3A_347 = arith.index_cast %get3A_346 : i32 to index
      %get3A_348 = arith.index_cast %scan3A_328 : i32 to index
      %get3A_349 = arith.constant 48 : index
      %get3A_350 = tpu.vector_load %arg8[%get3A_347, %get3A_348, %get3A_349] {strides = array<i32>} : memref<1x128x128xf32, #tpu.memory_space<vmem>>, vector<16xf32>,
      tpu.vector_store_idx %arg14[%mul3A_5, %add3A_10, %add3A_330], %get3A_350 : memref<1x32x128xf32, #tpu.memory_space<vmem>>[vector<16xi32>, vector<16xi32>, vector<16xi32>], vector<16xf32>,
      %get3A_351 = arith.constant 0 : i32
      %get3A_352 = arith.index_cast %get3A_351 : i32 to index
      %get3A_353 = arith.index_cast %scan3A_328 : i32 to index
      %get3A_354 = arith.constant 64 : index
      %get3A_355 = tpu.vector_load %arg8[%get3A_352, %get3A_353, %get3A_354] {strides = array<i32>} : memref<1x128x128xf32, #tpu.memory_space<vmem>>, vector<16xf32>,
      tpu.vector_store_idx %arg15[%mul3A_5, %iota3A_6, %add3A_330], %get3A_355 : memref<1x32x128xf32, #tpu.memory_space<vmem>>[vector<16xi32>, vector<16xi32>, vector<16xi32>], vector<16xf32>,
      %get3A_356 = arith.constant 0 : i32
      %get3A_357 = arith.index_cast %get3A_356 : i32 to index
      %get3A_358 = arith.index_cast %scan3A_328 : i32 to index
      %get3A_359 = arith.constant 80 : index
      %get3A_360 = tpu.vector_load %arg8[%get3A_357, %get3A_358, %get3A_359] {strides = array<i32>} : memref<1x128x128xf32, #tpu.memory_space<vmem>>, vector<16xf32>,
      tpu.vector_store_idx %arg15[%mul3A_5, %add3A_10, %add3A_330], %get3A_360 : memref<1x32x128xf32, #tpu.memory_space<vmem>>[vector<16xi32>, vector<16xi32>, vector<16xi32>], vector<16xf32>,
      %get3A_361 = arith.constant 0 : i32
      %get3A_362 = arith.index_cast %get3A_361 : i32 to index
      %get3A_363 = arith.index_cast %scan3A_328 : i32 to index
      %get3A_364 = arith.constant 96 : index
      %get3A_365 = tpu.vector_load %arg8[%get3A_362, %get3A_363, %get3A_364] {strides = array<i32>} : memref<1x128x128xf32, #tpu.memory_space<vmem>>, vector<16xf32>,
      tpu.vector_store_idx %arg16[%mul3A_5, %iota3A_6, %add3A_330], %get3A_365 : memref<1x32x128xf32, #tpu.memory_space<vmem>>[vector<16xi32>, vector<16xi32>, vector<16xi32>], vector<16xf32>,
      %get3A_366 = arith.constant 0 : i32
      %get3A_367 = arith.index_cast %get3A_366 : i32 to index
      %get3A_368 = arith.index_cast %scan3A_328 : i32 to index
      %get3A_369 = arith.constant 112 : index
      %get3A_370 = tpu.vector_load %arg8[%get3A_367, %get3A_368, %get3A_369] {strides = array<i32>} : memref<1x128x128xf32, #tpu.memory_space<vmem>>, vector<16xf32>,
      tpu.vector_store_idx %arg16[%mul3A_5, %add3A_10, %add3A_330], %get3A_370 : memref<1x32x128xf32, #tpu.memory_space<vmem>>[vector<16xi32>, vector<16xi32>, vector<16xi32>], vector<16xf32>,
      %scan3A_371 = arith.constant 0 : i32
      scf.yield %scan3A_371 : i32
    }
    %scan3A_210 = arith.constant 128 : i32
    %dma_start3A_211 = arith.constant 49 : i32
    %dma_start3A_212 = arith.constant 0 : i32
    %dma_start3A_213 = tpu.memref_slice %arg3[%dma_start3A_211, %dma_start3A_212, %mul3A_2] : memref<50x32x4096xf32, #tpu.memory_space<hbm>> -> memref<1x32x128xf32, #tpu.memory_space<hbm>>
    %dma_start3A_214 = arith.constant 49 : i32
    %dma_start3A_215 = arith.constant 0 : i32
    %dma_start3A_216 = tpu.memref_slice %arg3[%dma_start3A_214, %dma_start3A_215, %mul3A_2] : memref<50x32x4096xf32, #tpu.memory_space<hbm>> -> memref<1x32x128xf32, #tpu.memory_space<hbm>>
    tpu.enqueue_dma source(%arg13 : memref<1x32x128xf32, #tpu.memory_space<vmem>>) target(%dma_start3A_216 : memref<1x32x128xf32, #tpu.memory_space<hbm>>) target_semaphore(%arg20 : memref<!tpu.dma_semaphore, #tpu.memory_space<semaphore_mem>>)
    %dma_start3A_217 = arith.constant 49 : i32
    %dma_start3A_218 = arith.constant 0 : i32
    %dma_start3A_219 = tpu.memref_slice %arg4[%dma_start3A_217, %dma_start3A_218, %mul3A_2] : memref<50x32x4096xf32, #tpu.memory_space<hbm>> -> memref<1x32x128xf32, #tpu.memory_space<hbm>>
    %dma_start3A_220 = arith.constant 49 : i32
    %dma_start3A_221 = arith.constant 0 : i32
    %dma_start3A_222 = tpu.memref_slice %arg4[%dma_start3A_220, %dma_start3A_221, %mul3A_2] : memref<50x32x4096xf32, #tpu.memory_space<hbm>> -> memref<1x32x128xf32, #tpu.memory_space<hbm>>
    tpu.enqueue_dma source(%arg14 : memref<1x32x128xf32, #tpu.memory_space<vmem>>) target(%dma_start3A_222 : memref<1x32x128xf32, #tpu.memory_space<hbm>>) target_semaphore(%arg20 : memref<!tpu.dma_semaphore, #tpu.memory_space<semaphore_mem>>)
    %dma_start3A_223 = arith.constant 49 : i32
    %dma_start3A_224 = arith.constant 0 : i32
    %dma_start3A_225 = tpu.memref_slice %arg5[%dma_start3A_223, %dma_start3A_224, %mul3A_2] : memref<50x32x4096xf32, #tpu.memory_space<hbm>> -> memref<1x32x128xf32, #tpu.memory_space<hbm>>
    %dma_start3A_226 = arith.constant 49 : i32
    %dma_start3A_227 = arith.constant 0 : i32
    %dma_start3A_228 = tpu.memref_slice %arg5[%dma_start3A_226, %dma_start3A_227, %mul3A_2] : memref<50x32x4096xf32, #tpu.memory_space<hbm>> -> memref<1x32x128xf32, #tpu.memory_space<hbm>>
    tpu.enqueue_dma source(%arg15 : memref<1x32x128xf32, #tpu.memory_space<vmem>>) target(%dma_start3A_228 : memref<1x32x128xf32, #tpu.memory_space<hbm>>) target_semaphore(%arg20 : memref<!tpu.dma_semaphore, #tpu.memory_space<semaphore_mem>>)
    %dma_start3A_229 = arith.constant 49 : i32
    %dma_start3A_230 = arith.constant 0 : i32
    %dma_start3A_231 = tpu.memref_slice %arg6[%dma_start3A_229, %dma_start3A_230, %mul3A_2] : memref<50x32x4096xf32, #tpu.memory_space<hbm>> -> memref<1x32x128xf32, #tpu.memory_space<hbm>>
    %dma_start3A_232 = arith.constant 49 : i32
    %dma_start3A_233 = arith.constant 0 : i32
    %dma_start3A_234 = tpu.memref_slice %arg6[%dma_start3A_232, %dma_start3A_233, %mul3A_2] : memref<50x32x4096xf32, #tpu.memory_space<hbm>> -> memref<1x32x128xf32, #tpu.memory_space<hbm>>
    tpu.enqueue_dma source(%arg16 : memref<1x32x128xf32, #tpu.memory_space<vmem>>) target(%dma_start3A_234 : memref<1x32x128xf32, #tpu.memory_space<hbm>>) target_semaphore(%arg20 : memref<!tpu.dma_semaphore, #tpu.memory_space<semaphore_mem>>)
    %dma_wait3A_235 = arith.constant 48 : i32
    %dma_wait3A_236 = arith.constant 0 : i32
    %dma_wait3A_237 = tpu.memref_slice %arg3[%dma_wait3A_235, %dma_wait3A_236, %mul3A_2] : memref<50x32x4096xf32, #tpu.memory_space<hbm>> -> memref<1x32x128xf32, #tpu.memory_space<hbm>>
    %dma_wait3A_238 = arith.constant 48 : i32
    %dma_wait3A_239 = arith.constant 0 : i32
    %dma_wait3A_240 = tpu.memref_slice %arg3[%dma_wait3A_238, %dma_wait3A_239, %mul3A_2] : memref<50x32x4096xf32, #tpu.memory_space<hbm>> -> memref<1x32x128xf32, #tpu.memory_space<hbm>>
    tpu.wait_dma2 semaphore(%arg19 : memref<!tpu.dma_semaphore, #tpu.memory_space<semaphore_mem>>) src(%arg9 : memref<1x32x128xf32, #tpu.memory_space<vmem>>) dst(%dma_wait3A_240 : memref<1x32x128xf32, #tpu.memory_space<hbm>>)
    %dma_wait3A_241 = arith.constant 49 : i32
    %dma_wait3A_242 = arith.constant 0 : i32
    %dma_wait3A_243 = tpu.memref_slice %arg3[%dma_wait3A_241, %dma_wait3A_242, %mul3A_2] : memref<50x32x4096xf32, #tpu.memory_space<hbm>> -> memref<1x32x128xf32, #tpu.memory_space<hbm>>
    %dma_wait3A_244 = arith.constant 49 : i32
    %dma_wait3A_245 = arith.constant 0 : i32
    %dma_wait3A_246 = tpu.memref_slice %arg3[%dma_wait3A_244, %dma_wait3A_245, %mul3A_2] : memref<50x32x4096xf32, #tpu.memory_space<hbm>> -> memref<1x32x128xf32, #tpu.memory_space<hbm>>
    tpu.wait_dma2 semaphore(%arg20 : memref<!tpu.dma_semaphore, #tpu.memory_space<semaphore_mem>>) src(%arg13 : memref<1x32x128xf32, #tpu.memory_space<vmem>>) dst(%dma_wait3A_246 : memref<1x32x128xf32, #tpu.memory_space<hbm>>)
    %dma_wait3A_247 = arith.constant 48 : i32
    %dma_wait3A_248 = arith.constant 0 : i32
    %dma_wait3A_249 = tpu.memref_slice %arg4[%dma_wait3A_247, %dma_wait3A_248, %mul3A_2] : memref<50x32x4096xf32, #tpu.memory_space<hbm>> -> memref<1x32x128xf32, #tpu.memory_space<hbm>>
    %dma_wait3A_250 = arith.constant 48 : i32
    %dma_wait3A_251 = arith.constant 0 : i32
    %dma_wait3A_252 = tpu.memref_slice %arg4[%dma_wait3A_250, %dma_wait3A_251, %mul3A_2] : memref<50x32x4096xf32, #tpu.memory_space<hbm>> -> memref<1x32x128xf32, #tpu.memory_space<hbm>>
    tpu.wait_dma2 semaphore(%arg19 : memref<!tpu.dma_semaphore, #tpu.memory_space<semaphore_mem>>) src(%arg10 : memref<1x32x128xf32, #tpu.memory_space<vmem>>) dst(%dma_wait3A_252 : memref<1x32x128xf32, #tpu.memory_space<hbm>>)
    %dma_wait3A_253 = arith.constant 49 : i32
    %dma_wait3A_254 = arith.constant 0 : i32
    %dma_wait3A_255 = tpu.memref_slice %arg4[%dma_wait3A_253, %dma_wait3A_254, %mul3A_2] : memref<50x32x4096xf32, #tpu.memory_space<hbm>> -> memref<1x32x128xf32, #tpu.memory_space<hbm>>
    %dma_wait3A_256 = arith.constant 49 : i32
    %dma_wait3A_257 = arith.constant 0 : i32
    %dma_wait3A_258 = tpu.memref_slice %arg4[%dma_wait3A_256, %dma_wait3A_257, %mul3A_2] : memref<50x32x4096xf32, #tpu.memory_space<hbm>> -> memref<1x32x128xf32, #tpu.memory_space<hbm>>
    tpu.wait_dma2 semaphore(%arg20 : memref<!tpu.dma_semaphore, #tpu.memory_space<semaphore_mem>>) src(%arg14 : memref<1x32x128xf32, #tpu.memory_space<vmem>>) dst(%dma_wait3A_258 : memref<1x32x128xf32, #tpu.memory_space<hbm>>)
    %dma_wait3A_259 = arith.constant 48 : i32
    %dma_wait3A_260 = arith.constant 0 : i32
    %dma_wait3A_261 = tpu.memref_slice %arg5[%dma_wait3A_259, %dma_wait3A_260, %mul3A_2] : memref<50x32x4096xf32, #tpu.memory_space<hbm>> -> memref<1x32x128xf32, #tpu.memory_space<hbm>>
    %dma_wait3A_262 = arith.constant 48 : i32
    %dma_wait3A_263 = arith.constant 0 : i32
    %dma_wait3A_264 = tpu.memref_slice %arg5[%dma_wait3A_262, %dma_wait3A_263, %mul3A_2] : memref<50x32x4096xf32, #tpu.memory_space<hbm>> -> memref<1x32x128xf32, #tpu.memory_space<hbm>>
    tpu.wait_dma2 semaphore(%arg19 : memref<!tpu.dma_semaphore, #tpu.memory_space<semaphore_mem>>) src(%arg11 : memref<1x32x128xf32, #tpu.memory_space<vmem>>) dst(%dma_wait3A_264 : memref<1x32x128xf32, #tpu.memory_space<hbm>>)
    %dma_wait3A_265 = arith.constant 49 : i32
    %dma_wait3A_266 = arith.constant 0 : i32
    %dma_wait3A_267 = tpu.memref_slice %arg5[%dma_wait3A_265, %dma_wait3A_266, %mul3A_2] : memref<50x32x4096xf32, #tpu.memory_space<hbm>> -> memref<1x32x128xf32, #tpu.memory_space<hbm>>
    %dma_wait3A_268 = arith.constant 49 : i32
    %dma_wait3A_269 = arith.constant 0 : i32
    %dma_wait3A_270 = tpu.memref_slice %arg5[%dma_wait3A_268, %dma_wait3A_269, %mul3A_2] : memref<50x32x4096xf32, #tpu.memory_space<hbm>> -> memref<1x32x128xf32, #tpu.memory_space<hbm>>
    tpu.wait_dma2 semaphore(%arg20 : memref<!tpu.dma_semaphore, #tpu.memory_space<semaphore_mem>>) src(%arg15 : memref<1x32x128xf32, #tpu.memory_space<vmem>>) dst(%dma_wait3A_270 : memref<1x32x128xf32, #tpu.memory_space<hbm>>)
    %dma_wait3A_271 = arith.constant 48 : i32
    %dma_wait3A_272 = arith.constant 0 : i32
    %dma_wait3A_273 = tpu.memref_slice %arg6[%dma_wait3A_271, %dma_wait3A_272, %mul3A_2] : memref<50x32x4096xf32, #tpu.memory_space<hbm>> -> memref<1x32x128xf32, #tpu.memory_space<hbm>>
    %dma_wait3A_274 = arith.constant 48 : i32
    %dma_wait3A_275 = arith.constant 0 : i32
    %dma_wait3A_276 = tpu.memref_slice %arg6[%dma_wait3A_274, %dma_wait3A_275, %mul3A_2] : memref<50x32x4096xf32, #tpu.memory_space<hbm>> -> memref<1x32x128xf32, #tpu.memory_space<hbm>>
    tpu.wait_dma2 semaphore(%arg19 : memref<!tpu.dma_semaphore, #tpu.memory_space<semaphore_mem>>) src(%arg12 : memref<1x32x128xf32, #tpu.memory_space<vmem>>) dst(%dma_wait3A_276 : memref<1x32x128xf32, #tpu.memory_space<hbm>>)
    %dma_wait3A_277 = arith.constant 49 : i32
    %dma_wait3A_278 = arith.constant 0 : i32
    %dma_wait3A_279 = tpu.memref_slice %arg6[%dma_wait3A_277, %dma_wait3A_278, %mul3A_2] : memref<50x32x4096xf32, #tpu.memory_space<hbm>> -> memref<1x32x128xf32, #tpu.memory_space<hbm>>
    %dma_wait3A_280 = arith.constant 49 : i32
    %dma_wait3A_281 = arith.constant 0 : i32
    %dma_wait3A_282 = tpu.memref_slice %arg6[%dma_wait3A_280, %dma_wait3A_281, %mul3A_2] : memref<50x32x4096xf32, #tpu.memory_space<hbm>> -> memref<1x32x128xf32, #tpu.memory_space<hbm>>
    tpu.wait_dma2 semaphore(%arg20 : memref<!tpu.dma_semaphore, #tpu.memory_space<semaphore_mem>>) src(%arg16 : memref<1x32x128xf32, #tpu.memory_space<vmem>>) dst(%dma_wait3A_282 : memref<1x32x128xf32, #tpu.memory_space<hbm>>)
    return
  }
}

</mosaic_0001>

<sc_bundles>
// kernel: kernel.3.cloned.1.call-start
scs
__scs_entry_jumppad:
0x0: {  	(pc) =	sbr.rel $0x88, $3  }
0x1: {  	(tag) =	ssettag $0x0;
	lr =	simm.s32 $0x1  }
0x2: {  	[smem:$0x3FA0] =	sst lr;
	_ =	strace $0xD0000000  }
0x3: {  	_ = 	snop  }
0x4: {  	_ = 	snop  }
0x5: {  	_ = 	snop  }
0x6: {  	_ = 	snop  }
0x7: {  	_ = 	snop  }
__scs_overlays_trampoline_lowered:
0x8: {  	[smem:$0x3FAF] =	sst s0  }
0x9: {  	[smem:$0x3FB0] =	sst s1  }
0xa: {  	[smem:$0x3FB1] =	sst s2  }
0xb: {  	[smem:$0x3FB2] =	sst s3  }
0xc: {  	[smem:$0x3FB3] =	sst s4  }
0xd: {  	[smem:$0x3FB4] =	sst s5  }
0xe: {  	[smem:$0x3FB5] =	sst s6  }
0xf: {  	[smem:$0x3FB6] =	sst s7  }
0x10: {  	[smem:$0x3FB7] =	sst s8  }
0x11: {  	[smem:$0x3FB8] =	sst s9;
	s0 =	simm.s32 @!p0 $0x0  }
0x12: {  	s1 =	sld [smem:$0x3F9E];
	s0 =	simm.s32 @p0 $0x1  }
0x13: {  	[smem:$0x3FB9] =	sst s0;
	s0 =	simm.s32 @!p1 $0x0  }
0x14: {  	s2 =	sld [smem:$0x3F9D];
	s0 =	simm.s32 @p1 $0x1  }
0x15: {  	[smem:$0x3FBA] =	sst s0;
	s0 =	simm.s32 @!p2 $0x0  }
0x16: {  	s3 =	sld [smem:$0x3FDB];
	s0 =	simm.s32 @p2 $0x1  }
0x17: {  	s4 =	simm.s32 $0x1BF5;
	[smem:$0x3FBC] =	sst s0  }
0x18: {  	s0 =	sld [smem:$0x3F9F];
	_ =	swait.ge [sflag:s4], $0x0  }
0x19: {  	s7 =	sld [smem:$0x3FA0]  }
0x1a: {  	s8 =	sadd.s32 $0xFFFFE003, lr  }
0x1b: {  	s9 =	sadd.s32 $0xFFFFFEF7, lr;
	s5 =	simm.s32 $0xFFFFFFFF;
	p2 =	slt.u32 s8, $0xFFFFF086  }
0x1c: {  	p1 =	slt.u32 s9, $0xF7A;
	s5 =	simm.s32 @!p2 $0x0  }
0x1d: {  	s5 =	simm.s32 @p1 $0x1;
	p0 =	seq.s32 s7, s2  }
0x1e: {  	s7 =	smul.u32 @!p0 $0xF7A, s2;
	p2 =	seq.s32 @!p0 s5, $0x0  }
0x1f: {  	s9 =	smul.u32 $0xF7A, s1;
	s8 =	simm.s32 @!p0 $0x1BF5;
	p2 =	por !p2, p0  }
0x20: {  	[sflag:s8] =	ssyncset.s32 @!p0 $0xFFFFF086;
	s6 =	sadd.s32 @!p0 s3, s7;
	s7 =	simm.s32 @!p0 $0x108  }
0x21: {  	s3 =	sadd.s32 s3, s9;
	s6 =	sadd.s32 @!p0 $0x88, s6;
	s7 =	simm.s32 @p2 $0x1082  }
0x22: {  	[simem:s7], [sflag:s8] =	dma.local @!p0 [hbm:s6], $0xF7A  }
0x23: {  	s9 =	sor.u32 $0xD0000000, s2;
	s6 =	simm.s32 $0x108;
	_ =	swait.ge @!p0 [sflag:s8], $0x0  }
0x24: {  	s3 =	sadd.s32 $0x88, s3;
	s6 =	simm.s32 @!p1 $0x1082;
	[sflag:s4] =	ssyncset.s32 $0xFFFFF086  }
0x25: {  	[simem:s6], [sflag:s4] =	dma.local [hbm:s3], $0xF7A  }
0x26: {  	[smem:$0x3FA0] =	sst s1;
	(tag) =	ssettag s2;
	_ =	strace s9  }
0x27: {  	s1 =	sld [smem:$0x3FB0]  }
0x28: {  	s2 =	sld [smem:$0x3FB1]  }
0x29: {  	s4 =	sld [smem:$0x3FB3]  }
0x2a: {  	p0 =	seq.s32 s5, $0x0;
	s5 =	sld [smem:$0x3FB4]  }
0x2b: {  	s6 =	sld [smem:$0x3FB5]  }
0x2c: {  	s7 =	sld [smem:$0x3FB6]  }
0x2d: {  	s3 =	simm.s32 $0x108;
	s8 =	sld [smem:$0x3FB7]  }
0x2e: {  	s3 =	simm.s32 @!p0 $0x1082;
	s9 =	sld [smem:$0x3FB8]  }
0x2f: {  	lr =	sadd.s32 s0, s3;
	s0 =	sld [smem:$0x3FAF]  }
0x30: {  	s3 =	sld [smem:$0x3FB2]  }
0x31: {  	[smem:$0x3FBB] =	sst s10  }
0x32: {  	s10 =	sld [smem:$0x3FB9];
	_ =	sdelay $0x3  }
0x33: {  	p0 =	seq.s32 s10, $0x1;
	s10 =	sld [smem:$0x3FBB];
	_ =	sdelay $0x3  }
0x34: {  	[smem:$0x3FBB] =	sst s10  }
0x35: {  	s10 =	sld [smem:$0x3FBA];
	_ =	sdelay $0x3  }
0x36: {  	p1 =	seq.s32 s10, $0x1;
	s10 =	sld [smem:$0x3FBB];
	_ =	sdelay $0x3  }
0x37: {  	[smem:$0x3FBB] =	sst s10  }
0x38: {  	s10 =	sld [smem:$0x3FBC]  }
0x39: {  	_ = 	snop;
	(pc) =	sbr.ind lr, $3  }
0x3a: {  	_ = 	snop  }
0x3b: {  	_ = 	snop  }
0x3c: {  	p2 =	seq.s32 s10, $0x1;
	s10 =	sld [smem:$0x3FBB]  }
0x3d: {  	_ =	shalt  }
0x3e: {  	_ =	shalt  }
0x3f: {  	_ =	shalt  }
0x40: {  	_ =	shalt  }
0x41: {  	_ =	shalt  }
0x42: {  	_ =	shalt  }
0x43: {  	_ =	shalt  }
0x44: {  	_ =	shalt  }
0x45: {  	_ =	shalt  }
0x46: {  	_ =	shalt  }
0x47: {  	_ =	shalt  }
0x48: {  	_ =	shalt  }
0x49: {  	_ =	shalt  }
0x4a: {  	_ =	shalt  }
0x4b: {  	_ =	shalt  }
0x4c: {  	_ =	shalt  }
0x4d: {  	_ =	shalt  }
0x4e: {  	_ =	shalt  }
0x4f: {  	_ =	shalt  }
0x50: {  	_ =	shalt  }
0x51: {  	_ =	shalt  }
0x52: {  	_ =	shalt  }
0x53: {  	_ =	shalt  }
0x54: {  	_ =	shalt  }
0x55: {  	_ =	shalt  }
0x56: {  	_ =	shalt  }
0x57: {  	_ =	shalt  }
0x58: {  	_ =	shalt  }
0x59: {  	_ =	shalt  }
0x5a: {  	_ =	shalt  }
0x5b: {  	_ =	shalt  }
0x5c: {  	_ =	shalt  }
0x5d: {  	_ =	shalt  }
0x5e: {  	_ =	shalt  }
0x5f: {  	_ =	shalt  }
0x60: {  	_ =	shalt  }
0x61: {  	_ =	shalt  }
0x62: {  	_ =	shalt  }
0x63: {  	_ =	shalt  }
0x64: {  	_ =	shalt  }
0x65: {  	_ =	shalt  }
0x66: {  	_ =	shalt  }
0x67: {  	_ =	shalt  }
0x68: {  	_ =	shalt  }
0x69: {  	_ =	shalt  }
0x6a: {  	_ =	shalt  }
0x6b: {  	_ =	shalt  }
0x6c: {  	_ =	shalt  }
0x6d: {  	_ =	shalt  }
0x6e: {  	_ =	shalt  }
0x6f: {  	_ =	shalt  }
0x70: {  	_ =	shalt  }
0x71: {  	_ =	shalt  }
0x72: {  	_ =	shalt  }
0x73: {  	_ =	shalt  }
0x74: {  	_ =	shalt  }
0x75: {  	_ =	shalt  }
0x76: {  	_ =	shalt  }
0x77: {  	_ =	shalt  }
0x78: {  	_ =	shalt  }
0x79: {  	_ =	shalt  }
0x7a: {  	_ =	shalt  }
0x7b: {  	_ =	shalt  }
0x7c: {  	_ =	shalt  }
0x7d: {  	_ =	shalt  }
0x7e: {  	_ =	shalt  }
0x7f: {  	_ =	shalt  }
0x80: {  	_ =	shalt  }
0x81: {  	_ =	shalt  }
0x82: {  	_ =	shalt  }
0x83: {  	_ =	shalt  }
0x84: {  	_ =	shalt  }
0x85: {  	_ =	shalt  }
0x86: {  	_ =	shalt  }
0x87: {  	_ =	shalt  }
.Lfunc_end0:
.L_simem_size_0:
called_computation_lowered:
.L_overlay_start_0:
0x88: {  	s2 =	sld [smem:$0x3FD9]  }
0x89: {  	s3 =	sld [smem:$0x3FFE];
	_ =	sdelay $0x1  }
0x8a: {  	s1 =	srdreg.scid  }
0x8b: {  	s0 =	sand.u32 $0x1, s1  }
0x8c: {  	s15 =	sshll.u32 s0, $0xA;
	s2 =	sadd.s32 s3, s2  }
0x8d: {  	s2 =	sadd.s32 s2, s15  }
0x8e: {  	[smem:$0x3FC7] =	sst s2  }
0x8f: {  	_ = 	snop  }
0x90: {  	s2 =	sld [smem:$0x3FD0];
	_ =	sdelay $0x2  }
0x91: {  	s4 =	simm.s32 $0xA;
	s5 =	simm.s32 $0x10;
	s16 =	sld [smem:$0x3FC9]  }
0x92: {  	[smem:s5], [sflag:s4] =	dma.local [hbm:s2], $0x1  }
0x93: {  	_ =	swait.eq [sflag:s4], $0x1  }
0x94: {  	s17 =	sld [smem:$0x10]  }
0x95: {  	s18 =	sld [smem:$0x11];
	[sflag:s4] =	ssyncset.done $0x0  }
0x96: {  	s6 =	sld [smem:$0x12];
	[sflag:s4] =	ssyncadd.s32 $0xFFFFFFFF  }
0x97: {  	s19 =	sld [smem:$0x13];
	(tm) =	ssettm $0x1  }
0x98: {  	s7 =	sld [smem:$0x3FFB];
	_ =	sdelay $0x3  }
0x99: {  	_ =	strace s7  }
0x9a: {  	s7 =	sld [smem:$0x3FFC];
	_ =	sdelay $0x3  }
0x9b: {  	_ =	strace s7  }
0x9c: {  	s7 =	sld [smem:$0x3FFD];
	_ =	sdelay $0x3  }
0x9d: {  	_ =	strace s7  }
0x9e: {  	_ =	strace $0x8FFFFFFF  }
0x9f: {  	s20 =	sld [smem:$0x3FDB];
	_ =	sdelay $0x1  }
0xa0: {  	s8 =	simm.s32 $_scs_section_size  }
0xa1: {  	s9 =	simm.s32 $_size__tile_overlayer_lowered;
	s10 =	simm.s32 $_tile_overlayer_lowered  }
0xa2: {  	s23 =	simm.s32 $0x1BFF;
	s22 =	sshll.u32 s10, $0x1;
	s7 =	sadd.s32 s8, s20  }
0xa3: {  	s11 =	simm.s32 $0x0;
	s21 =	sshll.u32 s9, $0x1;
	s9 =	sadd.s32 s22, s7  }
0xa4: {  	[timem:s11], [sflag:s23] =	dma.local [hbm:s9], s21  }
0xa5: {  	_ =	swait.ge [sflag:s23], s21  }
0xa6: {  	s8 =	ssub.s32 $0x0, s21;
	[sflag:s23] =	ssyncset.done $0x0  }
0xa7: {  	[sflag:s23] =	ssyncadd.s32 s8;
	_ =	sdelay $0x1  }
0xa8: {  	s24 =	simm.s32 $0x1B8B  }
0xa9: {  	_ =	swait.ge [sflag:s24], $0x1  }
0xaa: {  	[sflag:s24] =	ssyncset.done $0x0  }
0xab: {  	s25 =	simm.s32 $0x1B8E;
	[sflag:s24] =	ssyncadd.s32 $0xFFFFFFFF  }
0xac: {  	s26 =	simm.s32 $execute0_lowered;
	[smem:$0x3FD2] =	sst s25  }
0xad: {  	s8 =	sshll.u32 s26, $0x1;
	_ =	strace $0x80000046;
	[dreg:$0x1] =	wrdreg $0xFFFFFFFF  }
0xae: {  	s28 =	simm.s32 $_size_execute0_lowered;
	s7 =	sadd.s32 s7, s8;
	[dreg:$0x0] =	wrdreg $0x0  }
0xaf: {  	s8 =	sshll.u32 s28, $0x1;
	[dreg:$0x2] =	wrdreg s7  }
0xb0: {  	[dreg:$0x3] =	wrdreg s8  }
0xb1: {  	[dreg:$0x4] =	wrdreg $0xC0  }
0xb2: {  	_ =	task [dreg:s11], $0x5FFFF  }
0xb3: {  	[dreg:$0x1] =	wrdreg $0xFFFFFFFF  }
0xb4: {  	[dreg:$0x0] =	wrdreg $0x60  }
0xb5: {  	[dreg:$0x2] =	wrdreg s16  }
0xb6: {  	[dreg:$0x3] =	wrdreg s17  }
0xb7: {  	[dreg:$0x4] =	wrdreg s18  }
0xb8: {  	[dreg:$0x5] =	wrdreg s6  }
0xb9: {  	[dreg:$0x6] =	wrdreg s19  }
0xba: {  	[dreg:$0x7] =	wrdreg $0x9  }
0xbb: {  	_ =	task.clear_ibuf [dreg:s11], $0x8FFFF;
	_ =	strace $0x90000046  }
0xbc: {  	s29 =	simm.s32 $0x9;
	_ =	strace $0x80000048  }
0xbd: {  	_ =	swait.ge [sflag:s29], $0x1  }
0xbe: {  	[sflag:s29] =	ssyncadd.s32 $0xFFFFFFFF  }
0xbf: {  	_ =	strace $0x90000048  }
0xc0: {  	_ =	sfence  }
0xc1: {  	s30 =	sld [smem:$0x0];
	_ =	sdelay $0x2  }
0xc2: {  	s31 =	sshll.u32 s1, $0xD;
	s1 =	sshrl.u32 s1, $0x2  }
0xc3: {  	s3 =	sand.u32 $0x4000, s31;
	s1 =	sadd.s32 s1, s30  }
0xc4: {  	s0 =	sor.u32 s3, s0;
	s1 =	sshll.u32 s1, $0x11  }
0xc5: {  	s0 =	sor.u32 s1, s0  }
0xc6: {  	s0 =	sadd.s32 $0x8F2B, s0  }
0xc7: {  	[sflag:s0] =	ssyncadd.remote.s32 $0x1  }
0xc8: {  	_ =	sfence.sel $0xFFFF  }
0xc9: {  	[dreg:$0x0] =	wrdreg $0xFFFFFFFF;
	(pc) =	sbr.abs _section_cstart, $3  }
0xca: {  	[dreg:$0x1] =	wrdreg $0xFFFFFFFF  }
0xcb: {  	_ =	task.clear_ibuf [dreg:s11], $0x2FFFF;
	_ =	strace $0x9FFFFFFF  }
0xcc: {  	(tm) =	ssettm $0x7FFFFFFF  }
0xcd: {  	_ =	shalt  }
tec
execute0_lowered:
.L_overlay_start_1:
0x0: {  	(tag) =	ssettag $0x1  }
0x1: {  	s1 =	rddreg [dreg:$0x0]  }
0x2: {  	s2 =	rddreg [dreg:$0x1]  }
0x3: {  	s3 =	rddreg [dreg:$0x2]  }
0x4: {  	s5 =	rddreg [dreg:$0x3];
	s0 =	srdreg.scid  }
0x5: {  	s6 =	rddreg [dreg:$0x4];
	s4 =	stileid.u32;
	s0 =	sand.u32 $0x1, s0  }
0x6: {  	s7 =	simm.s32 $0x0;
	s4 =	sshll.u32 s4, $0x8;
	s8 =	sshll.u32 s0, $0x7  }
0x7: {  	[smem:$0x7FF] =	sst s7;
	s8 =	sor.u32 s8, s4  }
0x8: {  	s0 =	ssub.s32 $0x2, s0;
	_ =	strace $0x80000047;
	s14 =	sadd.s32 s2, s8  }
0x9: {  	s12 =	sshrl.u32 s0, $0x1;
	s25 =	sadd.s32 s3, s8;
	[dreg:$0x7] =	wrdreg s14  }
0xa: {  	s10 =	sshll.u32 s8, $0x4;
	s26 =	sadd.s32 s5, s8;
	[dreg:$0x15] =	wrdreg s25  }
0xb: {  	s15 =	sor.u32 $0x4000, s8;
	s28 =	sadd.s32 s6, s8;
	[dreg:$0x16] =	wrdreg s26  }
0xc: {  	s0 =	ssub.s32 s0, s12;
	s11 =	sadd.s32 s2, s15;
	[dreg:$0x17] =	wrdreg s28  }
0xd: {  	s9 =	sshll.u32 s8, $0x7;
	s16 =	sadd.s32 s3, s15;
	[dreg:$0x8] =	wrdreg s11  }
0xe: {  	s17 =	sor.u32 $0xC0000, s8;
	s12 =	sadd.s32 s5, s15;
	[dreg:$0x9] =	wrdreg s16  }
0xf: {  	s21 =	sor.u32 $0xC4000, s8;
	s4 =	sadd.s32 s6, s15;
	[dreg:$0xa] =	wrdreg s12  }
0x10: {  	s10 =	sadd.s32 s1, s10;
	s18 =	sadd.s32 s2, s17;
	[dreg:$0xb] =	wrdreg s4  }
0x11: {  	s19 =	sadd.s32 s3, s17;
	s20 =	sadd.s32 s5, s17;
	[dreg:$0xc] =	wrdreg s18  }
0x12: {  	s22 =	sadd.s32 s2, s21;
	s23 =	sadd.s32 s3, s21;
	[dreg:$0xd] =	wrdreg s19  }
0x13: {  	s24 =	sadd.s32 s5, s21;
	s0 =	smax.u32 s0, $0x1;
	[dreg:$0xe] =	wrdreg s20  }
0x14: {  	s31 =	sor.u32 $0x100000, s9;
	s14 =	simm.s32 $0xA000;
	[dreg:$0x10] =	wrdreg s22  }
0x15: {  	s15 =	simm.s32 $0xB000;
	s13 =	sadd.s32 $0x10000, s10;
	[dreg:$0x11] =	wrdreg s23  }
0x16: {  	s11 =	sadd.s32 s6, s17;
	[dreg:$0x12] =	wrdreg s24;
	s4 =	sadd.s32 s6, s21  }
0x17: {  	[dreg:$0x14] =	wrdreg s0;
	s29 =	sadd.s32 $0x20000, s10;
	s30 =	sadd.s32 $0x310000, s10  }
0x18: {  	s12 =	simm.s32 $0x8000;
	s16 =	simm.s32 $0x400;
	[dreg:$0x6] =	wrdreg s13  }
0x19: {  	s17 =	simm.s32 $0x2;
	s18 =	simm.s32 $0xC000;
	[dreg:$0xf] =	wrdreg s11  }
0x1a: {  	v0 =	vlaneseq.u32;
	s19 =	simm.s32 $0xD000;
	s20 =	simm.s32 $0xE000;
	[dreg:$0x13] =	wrdreg s4  }
0x1b: {  	v0 =	vmul.u32 $0x80, v0;
	s21 =	simm.s32 $0xF000;
	s22 =	simm.s32 $0x3;
	[dreg:$0x18] =	wrdreg s29  }
0x1c: {  	s23 =	simm.s32 $0x4;
	s24 =	simm.s32 $0x0;
	[dreg:$0x19] =	wrdreg s30  }
0x1d: {  	v1 =	vor.u32 $0x800, v0;
	s4 =	simm.s32 $0x4000;
	s11 =	simm.s32 $0x1;
	s13 =	simm.s32 $0x9000  }
.LBB2_1:
0x1e: {  	[tilespmem:s7], [sflag:$0x1] =	stream.linear.gather [hbm4b:s10+s7], $0x4000, $0x38;
	[tilespmem:$0x10000] =	vst v63  }
0x1f: {  	s0 =	rddreg [dreg:$0x6]  }
0x20: {  	v2 =	vmov s7;
	[tilespmem:s4], [sflag:$0x2] =	stream.linear.gather [hbm4b:s0+s7], $0x4000, $0x38;
	[tilespmem:$0x10000] =	vst v63  }
0x21: {  	v2 =	vand.u32 $0x7E, v2;
	_ =	swait.ge [sflag:s11], $0x4000  }
0x22: {  	v2 =	vbroadcast v2, $0x0;
	[sflag:s11] =	ssyncset.done $0x0  }
0x23: {  	s25 =	simm.s32 $0x80;
	[sflag:s11] =	ssyncadd.s32 $0xFFFFC000  }
0x24: {  	v4 =	vor.u32 v0, v2;
	v3 =	vld [tilespmem:s25+$0xFFFFFF80];
	_ =	sdelay $0x4  }
0x25: {  	[tilespmem:v4+s12+$0x0] =	vst.idx.msk $0xffff, v3  }
0x26: {  	v2 =	vor.u32 v1, v2;
	v3 =	vld [tilespmem:s25+$0xFFFFFF90];
	_ =	sdelay $0x4  }
0x27: {  	[tilespmem:v2+s12+$0x0] =	vst.idx.msk $0xffff, v3  }
0x28: {  	v3 =	vld [tilespmem:s25+$0xFFFFFFA0];
	_ =	sdelay $0x4  }
0x29: {  	[tilespmem:v4+s13+$0x0] =	vst.idx.msk $0xffff, v3  }
0x2a: {  	v3 =	vld [tilespmem:s25+$0xFFFFFFB0];
	_ =	sdelay $0x4  }
0x2b: {  	[tilespmem:v2+s13+$0x0] =	vst.idx.msk $0xffff, v3  }
0x2c: {  	v3 =	vld [tilespmem:s25+$0xFFFFFFC0];
	_ =	sdelay $0x4  }
0x2d: {  	[tilespmem:v4+s14+$0x0] =	vst.idx.msk $0xffff, v3  }
0x2e: {  	v3 =	vld [tilespmem:s25+$0xFFFFFFD0];
	_ =	sdelay $0x4  }
0x2f: {  	[tilespmem:v2+s14+$0x0] =	vst.idx.msk $0xffff, v3  }
0x30: {  	v3 =	vld [tilespmem:s25+$0xFFFFFFE0];
	_ =	sdelay $0x4  }
0x31: {  	[tilespmem:v4+s15+$0x0] =	vst.idx.msk $0xffff, v3  }
0x32: {  	v3 =	vld [tilespmem:s25+$0xFFFFFFF0]  }
0x33: {  	s26 =	simm.s32 $0x1  }
0x34: {  	v4 =	vmov s26  }
0x35: {  	v4 =	vand.u32 $0x7F, v4  }
0x36: {  	v4 =	vbroadcast v4, $0x0  }
0x37: {  	[tilespmem:v2+s15+$0x0] =	vst.idx.msk $0xffff, v3  }
0x38: {  	v3 =	vor.u32 v0, v4;
	v2 =	vld [tilespmem:s25+$0x0];
	_ =	sdelay $0x4  }
0x39: {  	[tilespmem:v3+s12+$0x0] =	vst.idx.msk $0xffff, v2  }
0x3a: {  	v2 =	vor.u32 v1, v4;
	v5 =	vld [tilespmem:s25+$0x10];
	_ =	sdelay $0x4  }
0x3b: {  	[tilespmem:v2+s12+$0x0] =	vst.idx.msk $0xffff, v5  }
0x3c: {  	v4 =	vld [tilespmem:s25+$0x20];
	_ =	sdelay $0x4  }
0x3d: {  	[tilespmem:v3+s13+$0x0] =	vst.idx.msk $0xffff, v4  }
0x3e: {  	v4 =	vld [tilespmem:s25+$0x30];
	_ =	sdelay $0x4  }
0x3f: {  	[tilespmem:v2+s13+$0x0] =	vst.idx.msk $0xffff, v4  }
0x40: {  	v4 =	vld [tilespmem:s25+$0x40];
	_ =	sdelay $0x4  }
0x41: {  	[tilespmem:v3+s14+$0x0] =	vst.idx.msk $0xffff, v4  }
0x42: {  	v4 =	vld [tilespmem:s25+$0x50];
	_ =	sdelay $0x4  }
0x43: {  	[tilespmem:v2+s14+$0x0] =	vst.idx.msk $0xffff, v4  }
0x44: {  	v4 =	vld [tilespmem:s25+$0x60];
	_ =	sdelay $0x4  }
0x45: {  	[tilespmem:v3+s15+$0x0] =	vst.idx.msk $0xffff, v4  }
0x46: {  	v3 =	vld [tilespmem:s25+$0x70]  }
0x47: {  	s26 =	simm.s32 $0x2  }
0x48: {  	s28 =	simm.s32 $0x4;
	v4 =	vmov s26  }
.LBB2_2:
0x49: {  	p0 =	slt.u32 s28, $0x7E;
	v4 =	vand.u32 $0x7E, v4  }
0x4a: {  	v4 =	vbroadcast v4, $0x0  }
0x4b: {  	s25 =	sadd.s32 $0x100, s25;
	[tilespmem:v2+s15+$0x0] =	vst.idx.msk $0xffff, v3  }
0x4c: {  	v2 =	vld [tilespmem:s25+$0xFFFFFF80];
	v3 =	vor.u32 v0, v4;
	_ =	sdelay $0x4  }
0x4d: {  	[tilespmem:v3+s12+$0x0] =	vst.idx.msk $0xffff, v2  }
0x4e: {  	v4 =	vor.u32 v1, v4;
	v2 =	vld [tilespmem:s25+$0xFFFFFF90];
	_ =	sdelay $0x4  }
0x4f: {  	[tilespmem:v4+s12+$0x0] =	vst.idx.msk $0xffff, v2  }
0x50: {  	v2 =	vld [tilespmem:s25+$0xFFFFFFA0];
	_ =	sdelay $0x4  }
0x51: {  	[tilespmem:v3+s13+$0x0] =	vst.idx.msk $0xffff, v2  }
0x52: {  	v2 =	vld [tilespmem:s25+$0xFFFFFFB0];
	_ =	sdelay $0x4  }
0x53: {  	[tilespmem:v4+s13+$0x0] =	vst.idx.msk $0xffff, v2  }
0x54: {  	v2 =	vld [tilespmem:s25+$0xFFFFFFC0];
	_ =	sdelay $0x4  }
0x55: {  	[tilespmem:v3+s14+$0x0] =	vst.idx.msk $0xffff, v2  }
0x56: {  	v2 =	vld [tilespmem:s25+$0xFFFFFFD0];
	_ =	sdelay $0x4  }
0x57: {  	[tilespmem:v4+s14+$0x0] =	vst.idx.msk $0xffff, v2  }
0x58: {  	v2 =	vld [tilespmem:s25+$0xFFFFFFE0];
	_ =	sdelay $0x4  }
0x59: {  	[tilespmem:v3+s15+$0x0] =	vst.idx.msk $0xffff, v2  }
0x5a: {  	v2 =	vld [tilespmem:s25+$0xFFFFFFF0]  }
0x5b: {  	s29 =	sadd.s32 $0x1, s26;
	s26 =	smov.u32 s28  }
0x5c: {  	v3 =	vmov s29  }
0x5d: {  	v3 =	vand.u32 $0x7F, v3  }
0x5e: {  	v3 =	vbroadcast v3, $0x0  }
0x5f: {  	[tilespmem:v4+s15+$0x0] =	vst.idx.msk $0xffff, v2  }
0x60: {  	v4 =	vor.u32 v0, v3;
	v2 =	vld [tilespmem:s25+$0x0];
	_ =	sdelay $0x4  }
0x61: {  	[tilespmem:v4+s12+$0x0] =	vst.idx.msk $0xffff, v2  }
0x62: {  	v2 =	vor.u32 v1, v3;
	v5 =	vld [tilespmem:s25+$0x10];
	_ =	sdelay $0x4  }
0x63: {  	[tilespmem:v2+s12+$0x0] =	vst.idx.msk $0xffff, v5  }
0x64: {  	v3 =	vld [tilespmem:s25+$0x20];
	_ =	sdelay $0x4  }
0x65: {  	[tilespmem:v4+s13+$0x0] =	vst.idx.msk $0xffff, v3  }
0x66: {  	v3 =	vld [tilespmem:s25+$0x30];
	_ =	sdelay $0x4  }
0x67: {  	[tilespmem:v2+s13+$0x0] =	vst.idx.msk $0xffff, v3  }
0x68: {  	v3 =	vld [tilespmem:s25+$0x40];
	_ =	sdelay $0x4  }
0x69: {  	[tilespmem:v4+s14+$0x0] =	vst.idx.msk $0xffff, v3  }
0x6a: {  	v3 =	vld [tilespmem:s25+$0x50];
	_ =	sdelay $0x4  }
0x6b: {  	[tilespmem:v2+s14+$0x0] =	vst.idx.msk $0xffff, v3  }
0x6c: {  	v3 =	vld [tilespmem:s25+$0x60];
	_ =	sdelay $0x3  }
.Ltmp0:
0x6d: {  	(pc) =	sbr.rel @p0 .LBB2_2-.Ltmp0, $3  }
0x6e: {  	[tilespmem:v4+s15+$0x0] =	vst.idx.msk $0xffff, v3  }
0x6f: {  	v3 =	vld [tilespmem:s25+$0x70];
	_ =	sdelay $0x1  }
0x70: {  	s28 =	sadd.s32 $0x2, s28;
	v4 =	vmov s26  }
0x71: {  	_ =	sdelay $0x1  }
0x72: {  	v4 =	vand.u32 $0x7E, v4  }
0x73: {  	v4 =	vbroadcast v4, $0x0  }
0x74: {  	s25 =	sadd.s32 $0x100, s25;
	[tilespmem:v2+s15+$0x0] =	vst.idx.msk $0xffff, v3  }
0x75: {  	v2 =	vld [tilespmem:s25+$0xFFFFFF80];
	v3 =	vor.u32 v0, v4;
	_ =	sdelay $0x4  }
0x76: {  	[tilespmem:v3+s12+$0x0] =	vst.idx.msk $0xffff, v2  }
0x77: {  	v4 =	vor.u32 v1, v4;
	v2 =	vld [tilespmem:s25+$0xFFFFFF90];
	_ =	sdelay $0x4  }
0x78: {  	[tilespmem:v4+s12+$0x0] =	vst.idx.msk $0xffff, v2  }
0x79: {  	v2 =	vld [tilespmem:s25+$0xFFFFFFA0];
	_ =	sdelay $0x4  }
0x7a: {  	[tilespmem:v3+s13+$0x0] =	vst.idx.msk $0xffff, v2  }
0x7b: {  	v2 =	vld [tilespmem:s25+$0xFFFFFFB0];
	_ =	sdelay $0x4  }
0x7c: {  	[tilespmem:v4+s13+$0x0] =	vst.idx.msk $0xffff, v2  }
0x7d: {  	v2 =	vld [tilespmem:s25+$0xFFFFFFC0];
	_ =	sdelay $0x4  }
0x7e: {  	[tilespmem:v3+s14+$0x0] =	vst.idx.msk $0xffff, v2  }
0x7f: {  	v2 =	vld [tilespmem:s25+$0xFFFFFFD0];
	_ =	sdelay $0x4  }
0x80: {  	[tilespmem:v4+s14+$0x0] =	vst.idx.msk $0xffff, v2  }
0x81: {  	v2 =	vld [tilespmem:s25+$0xFFFFFFE0];
	_ =	sdelay $0x4  }
0x82: {  	[tilespmem:v3+s15+$0x0] =	vst.idx.msk $0xffff, v2  }
0x83: {  	v2 =	vld [tilespmem:s25+$0xFFFFFFF0]  }
0x84: {  	s26 =	sadd.s32 $0x1, s26  }
0x85: {  	v3 =	vmov s26  }
0x86: {  	v3 =	vand.u32 $0x7F, v3  }
0x87: {  	v3 =	vbroadcast v3, $0x0  }
0x88: {  	[tilespmem:v4+s15+$0x0] =	vst.idx.msk $0xffff, v2  }
0x89: {  	v4 =	vor.u32 v0, v3;
	v2 =	vld [tilespmem:s25+$0x0];
	_ =	sdelay $0x4  }
0x8a: {  	[tilespmem:v4+s12+$0x0] =	vst.idx.msk $0xffff, v2  }
0x8b: {  	v3 =	vor.u32 v1, v3;
	v2 =	vld [tilespmem:s25+$0x10];
	_ =	sdelay $0x4  }
0x8c: {  	[tilespmem:v3+s12+$0x0] =	vst.idx.msk $0xffff, v2  }
0x8d: {  	v2 =	vld [tilespmem:s25+$0x20];
	_ =	sdelay $0x4  }
0x8e: {  	[tilespmem:v4+s13+$0x0] =	vst.idx.msk $0xffff, v2  }
0x8f: {  	v2 =	vld [tilespmem:s25+$0x30];
	_ =	sdelay $0x4  }
0x90: {  	[tilespmem:v3+s13+$0x0] =	vst.idx.msk $0xffff, v2  }
0x91: {  	v2 =	vld [tilespmem:s25+$0x40];
	_ =	sdelay $0x4  }
0x92: {  	[tilespmem:v4+s14+$0x0] =	vst.idx.msk $0xffff, v2  }
0x93: {  	v2 =	vld [tilespmem:s25+$0x50];
	_ =	sdelay $0x4  }
0x94: {  	[tilespmem:v3+s14+$0x0] =	vst.idx.msk $0xffff, v2  }
0x95: {  	v2 =	vld [tilespmem:s25+$0x60];
	_ =	sdelay $0x4  }
0x96: {  	[tilespmem:v4+s15+$0x0] =	vst.idx.msk $0xffff, v2  }
0x97: {  	v2 =	vld [tilespmem:s25+$0x70];
	_ =	sdelay $0x4  }
0x98: {  	s0 =	rddreg [dreg:$0x7];
	[tilespmem:v3+s15+$0x0] =	vst.idx.msk $0xffff, v2  }
0x99: {  	[hbm4b:s0+s16] =	stream.strided.scatter [tilespmem:s12], [sflag:$0x3], $0x1000, s12, s16, $0x38;
	[tilespmem:$0x10000] =	vst v63  }
0x9a: {  	s29 =	rddreg [dreg:$0x15]  }
0x9b: {  	[hbm4b:s29+s16] =	stream.strided.scatter [tilespmem:s13], [sflag:$0x3], $0x1000, s12, s16, $0x38;
	[tilespmem:$0x10000] =	vst v63  }
0x9c: {  	s30 =	rddreg [dreg:$0x16]  }
0x9d: {  	[hbm4b:s30+s16] =	stream.strided.scatter [tilespmem:s14], [sflag:$0x3], $0x1000, s12, s16, $0x38;
	[tilespmem:$0x10000] =	vst v63  }
0x9e: {  	s25 =	rddreg [dreg:$0x17]  }
0x9f: {  	[hbm4b:s25+s16] =	stream.strided.scatter [tilespmem:s15], [sflag:$0x3], $0x1000, s12, s16, $0x38;
	[tilespmem:$0x10000] =	vst v63  }
0xa0: {  	s26 =	simm.s32 $0x0;
	s29 =	rddreg [dreg:$0x18]  }
0xa1: {  	v2 =	vmov s26;
	[tilespmem:s26], [sflag:$0x1] =	stream.linear.gather [hbm4b:s29+s26], $0x4000, $0x38;
	[tilespmem:$0x10000] =	vst v63  }
0xa2: {  	v2 =	vand.u32 $0x7E, v2;
	_ =	swait.ge [sflag:s17], $0x4000  }
0xa3: {  	v2 =	vbroadcast v2, $0x0;
	[sflag:s17] =	ssyncset.done $0x0  }
0xa4: {  	s25 =	simm.s32 $0x4080;
	[sflag:s17] =	ssyncadd.s32 $0xFFFFC000  }
0xa5: {  	v4 =	vor.u32 v0, v2;
	v3 =	vld [tilespmem:s25+$0xFFFFFF80];
	_ =	sdelay $0x4  }
0xa6: {  	[tilespmem:v4+s18+$0x0] =	vst.idx.msk $0xffff, v3  }
0xa7: {  	v2 =	vor.u32 v1, v2;
	v3 =	vld [tilespmem:s25+$0xFFFFFF90];
	_ =	sdelay $0x4  }
0xa8: {  	[tilespmem:v2+s18+$0x0] =	vst.idx.msk $0xffff, v3  }
0xa9: {  	v3 =	vld [tilespmem:s25+$0xFFFFFFA0];
	_ =	sdelay $0x4  }
0xaa: {  	[tilespmem:v4+s19+$0x0] =	vst.idx.msk $0xffff, v3  }
0xab: {  	v3 =	vld [tilespmem:s25+$0xFFFFFFB0];
	_ =	sdelay $0x4  }
0xac: {  	[tilespmem:v2+s19+$0x0] =	vst.idx.msk $0xffff, v3  }
0xad: {  	v3 =	vld [tilespmem:s25+$0xFFFFFFC0];
	_ =	sdelay $0x4  }
0xae: {  	[tilespmem:v4+s20+$0x0] =	vst.idx.msk $0xffff, v3  }
0xaf: {  	v3 =	vld [tilespmem:s25+$0xFFFFFFD0];
	_ =	sdelay $0x4  }
0xb0: {  	[tilespmem:v2+s20+$0x0] =	vst.idx.msk $0xffff, v3  }
0xb1: {  	v3 =	vld [tilespmem:s25+$0xFFFFFFE0];
	_ =	sdelay $0x4  }
0xb2: {  	[tilespmem:v4+s21+$0x0] =	vst.idx.msk $0xffff, v3  }
0xb3: {  	v3 =	vld [tilespmem:s25+$0xFFFFFFF0]  }
0xb4: {  	s30 =	simm.s32 $0x1  }
0xb5: {  	v4 =	vmov s30  }
0xb6: {  	v4 =	vand.u32 $0x7F, v4  }
0xb7: {  	v4 =	vbroadcast v4, $0x0  }
0xb8: {  	[tilespmem:v2+s21+$0x0] =	vst.idx.msk $0xffff, v3  }
0xb9: {  	v3 =	vor.u32 v0, v4;
	v2 =	vld [tilespmem:s25+$0x0];
	_ =	sdelay $0x4  }
0xba: {  	[tilespmem:v3+s18+$0x0] =	vst.idx.msk $0xffff, v2  }
0xbb: {  	v2 =	vor.u32 v1, v4;
	v5 =	vld [tilespmem:s25+$0x10];
	_ =	sdelay $0x4  }
0xbc: {  	[tilespmem:v2+s18+$0x0] =	vst.idx.msk $0xffff, v5  }
0xbd: {  	v4 =	vld [tilespmem:s25+$0x20];
	_ =	sdelay $0x4  }
0xbe: {  	[tilespmem:v3+s19+$0x0] =	vst.idx.msk $0xffff, v4  }
0xbf: {  	v4 =	vld [tilespmem:s25+$0x30];
	_ =	sdelay $0x4  }
0xc0: {  	[tilespmem:v2+s19+$0x0] =	vst.idx.msk $0xffff, v4  }
0xc1: {  	v4 =	vld [tilespmem:s25+$0x40];
	_ =	sdelay $0x4  }
0xc2: {  	[tilespmem:v3+s20+$0x0] =	vst.idx.msk $0xffff, v4  }
0xc3: {  	v4 =	vld [tilespmem:s25+$0x50];
	_ =	sdelay $0x4  }
0xc4: {  	[tilespmem:v2+s20+$0x0] =	vst.idx.msk $0xffff, v4  }
0xc5: {  	v4 =	vld [tilespmem:s25+$0x60];
	_ =	sdelay $0x4  }
0xc6: {  	[tilespmem:v3+s21+$0x0] =	vst.idx.msk $0xffff, v4  }
0xc7: {  	v3 =	vld [tilespmem:s25+$0x70]  }
0xc8: {  	s26 =	simm.s32 $0x2  }
0xc9: {  	s28 =	simm.s32 $0x4;
	v4 =	vmov s26  }
.LBB2_4:
0xca: {  	p0 =	slt.u32 s28, $0x7E;
	v4 =	vand.u32 $0x7E, v4  }
0xcb: {  	v4 =	vbroadcast v4, $0x0  }
0xcc: {  	s25 =	sadd.s32 $0x100, s25;
	[tilespmem:v2+s21+$0x0] =	vst.idx.msk $0xffff, v3  }
0xcd: {  	v2 =	vld [tilespmem:s25+$0xFFFFFF80];
	v3 =	vor.u32 v0, v4;
	_ =	sdelay $0x4  }
0xce: {  	[tilespmem:v3+s18+$0x0] =	vst.idx.msk $0xffff, v2  }
0xcf: {  	v4 =	vor.u32 v1, v4;
	v2 =	vld [tilespmem:s25+$0xFFFFFF90];
	_ =	sdelay $0x4  }
0xd0: {  	[tilespmem:v4+s18+$0x0] =	vst.idx.msk $0xffff, v2  }
0xd1: {  	v2 =	vld [tilespmem:s25+$0xFFFFFFA0];
	_ =	sdelay $0x4  }
0xd2: {  	[tilespmem:v3+s19+$0x0] =	vst.idx.msk $0xffff, v2  }
0xd3: {  	v2 =	vld [tilespmem:s25+$0xFFFFFFB0];
	_ =	sdelay $0x4  }
0xd4: {  	[tilespmem:v4+s19+$0x0] =	vst.idx.msk $0xffff, v2  }
0xd5: {  	v2 =	vld [tilespmem:s25+$0xFFFFFFC0];
	_ =	sdelay $0x4  }
0xd6: {  	[tilespmem:v3+s20+$0x0] =	vst.idx.msk $0xffff, v2  }
0xd7: {  	v2 =	vld [tilespmem:s25+$0xFFFFFFD0];
	_ =	sdelay $0x4  }
0xd8: {  	[tilespmem:v4+s20+$0x0] =	vst.idx.msk $0xffff, v2  }
0xd9: {  	v2 =	vld [tilespmem:s25+$0xFFFFFFE0];
	_ =	sdelay $0x4  }
0xda: {  	[tilespmem:v3+s21+$0x0] =	vst.idx.msk $0xffff, v2  }
0xdb: {  	v2 =	vld [tilespmem:s25+$0xFFFFFFF0]  }
0xdc: {  	s29 =	sadd.s32 $0x1, s26;
	s26 =	smov.u32 s28  }
0xdd: {  	v3 =	vmov s29  }
0xde: {  	v3 =	vand.u32 $0x7F, v3  }
0xdf: {  	v3 =	vbroadcast v3, $0x0  }
0xe0: {  	[tilespmem:v4+s21+$0x0] =	vst.idx.msk $0xffff, v2  }
0xe1: {  	v4 =	vor.u32 v0, v3;
	v2 =	vld [tilespmem:s25+$0x0];
	_ =	sdelay $0x4  }
0xe2: {  	[tilespmem:v4+s18+$0x0] =	vst.idx.msk $0xffff, v2  }
0xe3: {  	v2 =	vor.u32 v1, v3;
	v5 =	vld [tilespmem:s25+$0x10];
	_ =	sdelay $0x4  }
0xe4: {  	[tilespmem:v2+s18+$0x0] =	vst.idx.msk $0xffff, v5  }
0xe5: {  	v3 =	vld [tilespmem:s25+$0x20];
	_ =	sdelay $0x4  }
0xe6: {  	[tilespmem:v4+s19+$0x0] =	vst.idx.msk $0xffff, v3  }
0xe7: {  	v3 =	vld [tilespmem:s25+$0x30];
	_ =	sdelay $0x4  }
0xe8: {  	[tilespmem:v2+s19+$0x0] =	vst.idx.msk $0xffff, v3  }
0xe9: {  	v3 =	vld [tilespmem:s25+$0x40];
	_ =	sdelay $0x4  }
0xea: {  	[tilespmem:v4+s20+$0x0] =	vst.idx.msk $0xffff, v3  }
0xeb: {  	v3 =	vld [tilespmem:s25+$0x50];
	_ =	sdelay $0x4  }
0xec: {  	[tilespmem:v2+s20+$0x0] =	vst.idx.msk $0xffff, v3  }
0xed: {  	v3 =	vld [tilespmem:s25+$0x60];
	_ =	sdelay $0x3  }
.Ltmp1:
0xee: {  	(pc) =	sbr.rel @p0 .LBB2_4-.Ltmp1, $3  }
0xef: {  	[tilespmem:v4+s21+$0x0] =	vst.idx.msk $0xffff, v3  }
0xf0: {  	v3 =	vld [tilespmem:s25+$0x70];
	_ =	sdelay $0x1  }
0xf1: {  	s28 =	sadd.s32 $0x2, s28;
	v4 =	vmov s26  }
0xf2: {  	_ =	sdelay $0x1  }
0xf3: {  	v4 =	vand.u32 $0x7E, v4  }
0xf4: {  	v4 =	vbroadcast v4, $0x0  }
0xf5: {  	s25 =	sadd.s32 $0x100, s25;
	[tilespmem:v2+s21+$0x0] =	vst.idx.msk $0xffff, v3  }
0xf6: {  	v2 =	vld [tilespmem:s25+$0xFFFFFF80];
	v3 =	vor.u32 v0, v4;
	_ =	sdelay $0x4  }
0xf7: {  	[tilespmem:v3+s18+$0x0] =	vst.idx.msk $0xffff, v2  }
0xf8: {  	v4 =	vor.u32 v1, v4;
	v2 =	vld [tilespmem:s25+$0xFFFFFF90];
	_ =	sdelay $0x4  }
0xf9: {  	[tilespmem:v4+s18+$0x0] =	vst.idx.msk $0xffff, v2  }
0xfa: {  	v2 =	vld [tilespmem:s25+$0xFFFFFFA0];
	_ =	sdelay $0x4  }
0xfb: {  	[tilespmem:v3+s19+$0x0] =	vst.idx.msk $0xffff, v2  }
0xfc: {  	v2 =	vld [tilespmem:s25+$0xFFFFFFB0];
	_ =	sdelay $0x4  }
0xfd: {  	[tilespmem:v4+s19+$0x0] =	vst.idx.msk $0xffff, v2  }
0xfe: {  	v2 =	vld [tilespmem:s25+$0xFFFFFFC0];
	_ =	sdelay $0x4  }
0xff: {  	[tilespmem:v3+s20+$0x0] =	vst.idx.msk $0xffff, v2  }
0x100: {  	v2 =	vld [tilespmem:s25+$0xFFFFFFD0];
	_ =	sdelay $0x4  }
0x101: {  	[tilespmem:v4+s20+$0x0] =	vst.idx.msk $0xffff, v2  }
0x102: {  	v2 =	vld [tilespmem:s25+$0xFFFFFFE0];
	_ =	sdelay $0x4  }
0x103: {  	[tilespmem:v3+s21+$0x0] =	vst.idx.msk $0xffff, v2  }
0x104: {  	v2 =	vld [tilespmem:s25+$0xFFFFFFF0]  }
0x105: {  	s26 =	sadd.s32 $0x1, s26  }
0x106: {  	v3 =	vmov s26  }
0x107: {  	v3 =	vand.u32 $0x7F, v3  }
0x108: {  	v3 =	vbroadcast v3, $0x0  }
0x109: {  	[tilespmem:v4+s21+$0x0] =	vst.idx.msk $0xffff, v2  }
0x10a: {  	v63 =	vor.u32 v0, v3;
	v2 =	vld [tilespmem:s25+$0x0];
	_ =	sdelay $0x4  }
0x10b: {  	[tilespmem:v63+s18+$0x0] =	vst.idx.msk $0xffff, v2  }
0x10c: {  	v3 =	vor.u32 v1, v3;
	v2 =	vld [tilespmem:s25+$0x10];
	_ =	sdelay $0x4  }
0x10d: {  	[tilespmem:v3+s18+$0x0] =	vst.idx.msk $0xffff, v2  }
0x10e: {  	v2 =	vld [tilespmem:s25+$0x20];
	_ =	sdelay $0x4  }
0x10f: {  	[tilespmem:v63+s19+$0x0] =	vst.idx.msk $0xffff, v2  }
0x110: {  	v2 =	vld [tilespmem:s25+$0x30];
	_ =	sdelay $0x4  }
0x111: {  	[tilespmem:v3+s19+$0x0] =	vst.idx.msk $0xffff, v2  }
0x112: {  	v2 =	vld [tilespmem:s25+$0x40];
	_ =	sdelay $0x4  }
0x113: {  	[tilespmem:v63+s20+$0x0] =	vst.idx.msk $0xffff, v2  }
0x114: {  	v2 =	vld [tilespmem:s25+$0x50];
	_ =	sdelay $0x4  }
0x115: {  	[tilespmem:v3+s20+$0x0] =	vst.idx.msk $0xffff, v2  }
0x116: {  	v2 =	vld [tilespmem:s25+$0x60];
	_ =	sdelay $0x4  }
0x117: {  	[tilespmem:v63+s21+$0x0] =	vst.idx.msk $0xffff, v2  }
0x118: {  	v2 =	vld [tilespmem:s25+$0x70];
	_ =	sdelay $0x4  }
0x119: {  	s0 =	rddreg [dreg:$0x8];
	[tilespmem:v3+s21+$0x0] =	vst.idx.msk $0xffff, v2  }
0x11a: {  	[hbm4b:s0+s16] =	stream.strided.scatter [tilespmem:s18], [sflag:$0x4], $0x1000, s12, s16, $0x38;
	[tilespmem:$0x10000] =	vst v63  }
0x11b: {  	s28 =	rddreg [dreg:$0x9]  }
0x11c: {  	[hbm4b:s28+s16] =	stream.strided.scatter [tilespmem:s19], [sflag:$0x4], $0x1000, s12, s16, $0x38;
	[tilespmem:$0x10000] =	vst v63  }
0x11d: {  	s29 =	rddreg [dreg:$0xa]  }
0x11e: {  	[hbm4b:s29+s16] =	stream.strided.scatter [tilespmem:s20], [sflag:$0x4], $0x1000, s12, s16, $0x38;
	[tilespmem:$0x10000] =	vst v63  }
0x11f: {  	s30 =	rddreg [dreg:$0xb];
	s25 =	simm.s32 $0x1  }
0x120: {  	[hbm4b:s30+s16] =	stream.strided.scatter [tilespmem:s21], [sflag:$0x4], $0x1000, s12, s16, $0x38;
	[tilespmem:$0x10000] =	vst v63  }
.LBB2_6:
0x121: {  	s26 =	sshllo.u32 s25, $0x1  }
0x122: {  	s28 =	sshll.u32 s26, $0x13  }
0x123: {  	s28 =	sor.u32 s9, s28  }
0x124: {  	s28 =	sshrl.u32 s28, $0x3  }
0x125: {  	s29 =	simm.s32 $0x0;
	s28 =	sadd.s32 s1, s28  }
0x126: {  	[tilespmem:s4], [sflag:$0x2] =	stream.linear.gather [hbm4b:s28+s29], $0x4000, $0x38;
	[tilespmem:$0x10000] =	vst v63  }
0x127: {  	_ =	swait.ge [sflag:s11], $0x4000  }
0x128: {  	[sflag:s11] =	ssyncset.done $0x0  }
0x129: {  	[sflag:s11] =	ssyncadd.s32 $0xFFFFC000  }
0x12a: {  	_ =	swait.ge [sflag:s22], $0x1000  }
0x12b: {  	[sflag:s22] =	ssyncset.done $0x0  }
0x12c: {  	[sflag:s22] =	ssyncadd.s32 $0xFFFFF000  }
0x12d: {  	_ =	swait.ge [sflag:s22], $0x1000  }
0x12e: {  	[sflag:s22] =	ssyncset.done $0x0  }
0x12f: {  	[sflag:s22] =	ssyncadd.s32 $0xFFFFF000  }
0x130: {  	_ =	swait.ge [sflag:s22], $0x1000  }
0x131: {  	[sflag:s22] =	ssyncset.done $0x0  }
0x132: {  	v2 =	vmov s29;
	[sflag:s22] =	ssyncadd.s32 $0xFFFFF000  }
0x133: {  	v2 =	vand.u32 $0x7E, v2;
	_ =	swait.ge [sflag:s22], $0x1000  }
0x134: {  	v2 =	vbroadcast v2, $0x0;
	[sflag:s22] =	ssyncset.done $0x0  }
0x135: {  	s28 =	simm.s32 $0x80;
	[sflag:s22] =	ssyncadd.s32 $0xFFFFF000  }
0x136: {  	v4 =	vor.u32 v0, v2;
	v3 =	vld [tilespmem:s28+$0xFFFFFF80];
	_ =	sdelay $0x4  }
0x137: {  	[tilespmem:v4+s12+$0x0] =	vst.idx.msk $0xffff, v3  }
0x138: {  	v2 =	vor.u32 v1, v2;
	v3 =	vld [tilespmem:s28+$0xFFFFFF90];
	_ =	sdelay $0x4  }
0x139: {  	[tilespmem:v2+s12+$0x0] =	vst.idx.msk $0xffff, v3  }
0x13a: {  	v3 =	vld [tilespmem:s28+$0xFFFFFFA0];
	_ =	sdelay $0x4  }
0x13b: {  	[tilespmem:v4+s13+$0x0] =	vst.idx.msk $0xffff, v3  }
0x13c: {  	v3 =	vld [tilespmem:s28+$0xFFFFFFB0];
	_ =	sdelay $0x4  }
0x13d: {  	[tilespmem:v2+s13+$0x0] =	vst.idx.msk $0xffff, v3  }
0x13e: {  	v3 =	vld [tilespmem:s28+$0xFFFFFFC0];
	_ =	sdelay $0x4  }
0x13f: {  	[tilespmem:v4+s14+$0x0] =	vst.idx.msk $0xffff, v3  }
0x140: {  	v3 =	vld [tilespmem:s28+$0xFFFFFFD0];
	_ =	sdelay $0x4  }
0x141: {  	[tilespmem:v2+s14+$0x0] =	vst.idx.msk $0xffff, v3  }
0x142: {  	v3 =	vld [tilespmem:s28+$0xFFFFFFE0];
	_ =	sdelay $0x4  }
0x143: {  	[tilespmem:v4+s15+$0x0] =	vst.idx.msk $0xffff, v3  }
0x144: {  	v3 =	vld [tilespmem:s28+$0xFFFFFFF0]  }
0x145: {  	s29 =	simm.s32 $0x1  }
0x146: {  	v4 =	vmov s29  }
0x147: {  	v4 =	vand.u32 $0x7F, v4  }
0x148: {  	v4 =	vbroadcast v4, $0x0  }
0x149: {  	[tilespmem:v2+s15+$0x0] =	vst.idx.msk $0xffff, v3  }
0x14a: {  	v3 =	vor.u32 v0, v4;
	v2 =	vld [tilespmem:s28+$0x0];
	_ =	sdelay $0x4  }
0x14b: {  	[tilespmem:v3+s12+$0x0] =	vst.idx.msk $0xffff, v2  }
0x14c: {  	v2 =	vor.u32 v1, v4;
	v5 =	vld [tilespmem:s28+$0x10];
	_ =	sdelay $0x4  }
0x14d: {  	[tilespmem:v2+s12+$0x0] =	vst.idx.msk $0xffff, v5  }
0x14e: {  	v4 =	vld [tilespmem:s28+$0x20];
	_ =	sdelay $0x4  }
0x14f: {  	[tilespmem:v3+s13+$0x0] =	vst.idx.msk $0xffff, v4  }
0x150: {  	v4 =	vld [tilespmem:s28+$0x30];
	_ =	sdelay $0x4  }
0x151: {  	[tilespmem:v2+s13+$0x0] =	vst.idx.msk $0xffff, v4  }
0x152: {  	v4 =	vld [tilespmem:s28+$0x40];
	_ =	sdelay $0x4  }
0x153: {  	[tilespmem:v3+s14+$0x0] =	vst.idx.msk $0xffff, v4  }
0x154: {  	v4 =	vld [tilespmem:s28+$0x50];
	_ =	sdelay $0x4  }
0x155: {  	[tilespmem:v2+s14+$0x0] =	vst.idx.msk $0xffff, v4  }
0x156: {  	v4 =	vld [tilespmem:s28+$0x60];
	_ =	sdelay $0x4  }
0x157: {  	[tilespmem:v3+s15+$0x0] =	vst.idx.msk $0xffff, v4  }
0x158: {  	v3 =	vld [tilespmem:s28+$0x70]  }
0x159: {  	s29 =	simm.s32 $0x2  }
0x15a: {  	s30 =	simm.s32 $0x4;
	v4 =	vmov s29  }
.LBB2_7:
0x15b: {  	p0 =	slt.u32 s30, $0x7E;
	v4 =	vand.u32 $0x7E, v4  }
0x15c: {  	v4 =	vbroadcast v4, $0x0  }
0x15d: {  	s28 =	sadd.s32 $0x100, s28;
	[tilespmem:v2+s15+$0x0] =	vst.idx.msk $0xffff, v3  }
0x15e: {  	v2 =	vld [tilespmem:s28+$0xFFFFFF80];
	v3 =	vor.u32 v0, v4;
	_ =	sdelay $0x4  }
0x15f: {  	[tilespmem:v3+s12+$0x0] =	vst.idx.msk $0xffff, v2  }
0x160: {  	v4 =	vor.u32 v1, v4;
	v2 =	vld [tilespmem:s28+$0xFFFFFF90];
	_ =	sdelay $0x4  }
0x161: {  	[tilespmem:v4+s12+$0x0] =	vst.idx.msk $0xffff, v2  }
0x162: {  	v2 =	vld [tilespmem:s28+$0xFFFFFFA0];
	_ =	sdelay $0x4  }
0x163: {  	[tilespmem:v3+s13+$0x0] =	vst.idx.msk $0xffff, v2  }
0x164: {  	v2 =	vld [tilespmem:s28+$0xFFFFFFB0];
	_ =	sdelay $0x4  }
0x165: {  	[tilespmem:v4+s13+$0x0] =	vst.idx.msk $0xffff, v2  }
0x166: {  	v2 =	vld [tilespmem:s28+$0xFFFFFFC0];
	_ =	sdelay $0x4  }
0x167: {  	[tilespmem:v3+s14+$0x0] =	vst.idx.msk $0xffff, v2  }
0x168: {  	v2 =	vld [tilespmem:s28+$0xFFFFFFD0];
	_ =	sdelay $0x4  }
0x169: {  	[tilespmem:v4+s14+$0x0] =	vst.idx.msk $0xffff, v2  }
0x16a: {  	v2 =	vld [tilespmem:s28+$0xFFFFFFE0];
	_ =	sdelay $0x4  }
0x16b: {  	[tilespmem:v3+s15+$0x0] =	vst.idx.msk $0xffff, v2  }
0x16c: {  	v2 =	vld [tilespmem:s28+$0xFFFFFFF0]  }
0x16d: {  	s0 =	sadd.s32 $0x1, s29;
	s29 =	smov.u32 s30  }
0x16e: {  	v3 =	vmov s0  }
0x16f: {  	v3 =	vand.u32 $0x7F, v3  }
0x170: {  	v3 =	vbroadcast v3, $0x0  }
0x171: {  	[tilespmem:v4+s15+$0x0] =	vst.idx.msk $0xffff, v2  }
0x172: {  	v4 =	vor.u32 v0, v3;
	v2 =	vld [tilespmem:s28+$0x0];
	_ =	sdelay $0x4  }
0x173: {  	[tilespmem:v4+s12+$0x0] =	vst.idx.msk $0xffff, v2  }
0x174: {  	v2 =	vor.u32 v1, v3;
	v5 =	vld [tilespmem:s28+$0x10];
	_ =	sdelay $0x4  }
0x175: {  	[tilespmem:v2+s12+$0x0] =	vst.idx.msk $0xffff, v5  }
0x176: {  	v3 =	vld [tilespmem:s28+$0x20];
	_ =	sdelay $0x4  }
0x177: {  	[tilespmem:v4+s13+$0x0] =	vst.idx.msk $0xffff, v3  }
0x178: {  	v3 =	vld [tilespmem:s28+$0x30];
	_ =	sdelay $0x4  }
0x179: {  	[tilespmem:v2+s13+$0x0] =	vst.idx.msk $0xffff, v3  }
0x17a: {  	v3 =	vld [tilespmem:s28+$0x40];
	_ =	sdelay $0x4  }
0x17b: {  	[tilespmem:v4+s14+$0x0] =	vst.idx.msk $0xffff, v3  }
0x17c: {  	v3 =	vld [tilespmem:s28+$0x50];
	_ =	sdelay $0x4  }
0x17d: {  	[tilespmem:v2+s14+$0x0] =	vst.idx.msk $0xffff, v3  }
0x17e: {  	v3 =	vld [tilespmem:s28+$0x60];
	_ =	sdelay $0x3  }
.Ltmp2:
0x17f: {  	(pc) =	sbr.rel @p0 .LBB2_7-.Ltmp2, $3  }
0x180: {  	[tilespmem:v4+s15+$0x0] =	vst.idx.msk $0xffff, v3  }
0x181: {  	v3 =	vld [tilespmem:s28+$0x70];
	_ =	sdelay $0x1  }
0x182: {  	s30 =	sadd.s32 $0x2, s30;
	v4 =	vmov s29  }
0x183: {  	_ =	sdelay $0x1  }
0x184: {  	v4 =	vand.u32 $0x7E, v4  }
0x185: {  	v4 =	vbroadcast v4, $0x0  }
0x186: {  	s0 =	sadd.s32 $0x100, s28;
	[tilespmem:v2+s15+$0x0] =	vst.idx.msk $0xffff, v3  }
0x187: {  	v2 =	vld [tilespmem:s0+$0xFFFFFF80];
	v3 =	vor.u32 v0, v4;
	_ =	sdelay $0x4  }
0x188: {  	[tilespmem:v3+s12+$0x0] =	vst.idx.msk $0xffff, v2  }
0x189: {  	v4 =	vor.u32 v1, v4;
	v2 =	vld [tilespmem:s0+$0xFFFFFF90];
	_ =	sdelay $0x4  }
0x18a: {  	[tilespmem:v4+s12+$0x0] =	vst.idx.msk $0xffff, v2  }
0x18b: {  	v2 =	vld [tilespmem:s0+$0xFFFFFFA0];
	_ =	sdelay $0x4  }
0x18c: {  	[tilespmem:v3+s13+$0x0] =	vst.idx.msk $0xffff, v2  }
0x18d: {  	v2 =	vld [tilespmem:s0+$0xFFFFFFB0];
	_ =	sdelay $0x4  }
0x18e: {  	[tilespmem:v4+s13+$0x0] =	vst.idx.msk $0xffff, v2  }
0x18f: {  	v2 =	vld [tilespmem:s0+$0xFFFFFFC0];
	_ =	sdelay $0x4  }
0x190: {  	[tilespmem:v3+s14+$0x0] =	vst.idx.msk $0xffff, v2  }
0x191: {  	v2 =	vld [tilespmem:s0+$0xFFFFFFD0];
	_ =	sdelay $0x4  }
0x192: {  	[tilespmem:v4+s14+$0x0] =	vst.idx.msk $0xffff, v2  }
0x193: {  	v2 =	vld [tilespmem:s0+$0xFFFFFFE0];
	_ =	sdelay $0x4  }
0x194: {  	[tilespmem:v3+s15+$0x0] =	vst.idx.msk $0xffff, v2  }
0x195: {  	v2 =	vld [tilespmem:s0+$0xFFFFFFF0]  }
0x196: {  	s28 =	sadd.s32 $0x1, s29  }
0x197: {  	v3 =	vmov s28  }
0x198: {  	v3 =	vand.u32 $0x7F, v3  }
0x199: {  	v3 =	vbroadcast v3, $0x0  }
0x19a: {  	[tilespmem:v4+s15+$0x0] =	vst.idx.msk $0xffff, v2  }
0x19b: {  	v4 =	vor.u32 v0, v3;
	v2 =	vld [tilespmem:s0+$0x0];
	_ =	sdelay $0x4  }
0x19c: {  	[tilespmem:v4+s12+$0x0] =	vst.idx.msk $0xffff, v2  }
0x19d: {  	v3 =	vor.u32 v1, v3;
	v2 =	vld [tilespmem:s0+$0x10];
	_ =	sdelay $0x4  }
0x19e: {  	[tilespmem:v3+s12+$0x0] =	vst.idx.msk $0xffff, v2  }
0x19f: {  	v2 =	vld [tilespmem:s0+$0x20];
	_ =	sdelay $0x4  }
0x1a0: {  	[tilespmem:v4+s13+$0x0] =	vst.idx.msk $0xffff, v2  }
0x1a1: {  	v2 =	vld [tilespmem:s0+$0x30];
	_ =	sdelay $0x4  }
0x1a2: {  	[tilespmem:v3+s13+$0x0] =	vst.idx.msk $0xffff, v2  }
0x1a3: {  	v2 =	vld [tilespmem:s0+$0x40];
	_ =	sdelay $0x4  }
0x1a4: {  	[tilespmem:v4+s14+$0x0] =	vst.idx.msk $0xffff, v2  }
0x1a5: {  	v2 =	vld [tilespmem:s0+$0x50];
	_ =	sdelay $0x4  }
0x1a6: {  	[tilespmem:v3+s14+$0x0] =	vst.idx.msk $0xffff, v2  }
0x1a7: {  	v2 =	vld [tilespmem:s0+$0x60];
	_ =	sdelay $0x4  }
0x1a8: {  	[tilespmem:v4+s15+$0x0] =	vst.idx.msk $0xffff, v2  }
0x1a9: {  	v2 =	vld [tilespmem:s0+$0x70];
	_ =	sdelay $0x2  }
0x1aa: {  	s0 =	sshll.u32 s25, $0xF  }
0x1ab: {  	s0 =	sor.u32 s8, s0  }
0x1ac: {  	s28 =	sadd.s32 s2, s0;
	[tilespmem:v3+s15+$0x0] =	vst.idx.msk $0xffff, v2  }
0x1ad: {  	[hbm4b:s28+s16] =	stream.strided.scatter [tilespmem:s12], [sflag:$0x3], $0x1000, s12, s16, $0x38;
	[tilespmem:$0x10000] =	vst v63  }
0x1ae: {  	s28 =	sadd.s32 s3, s0  }
0x1af: {  	[hbm4b:s28+s16] =	stream.strided.scatter [tilespmem:s13], [sflag:$0x3], $0x1000, s12, s16, $0x38;
	[tilespmem:$0x10000] =	vst v63  }
0x1b0: {  	s28 =	sadd.s32 s5, s0  }
0x1b1: {  	[hbm4b:s28+s16] =	stream.strided.scatter [tilespmem:s14], [sflag:$0x3], $0x1000, s12, s16, $0x38;
	[tilespmem:$0x10000] =	vst v63  }
0x1b2: {  	s0 =	sadd.s32 s6, s0  }
0x1b3: {  	[hbm4b:s0+s16] =	stream.strided.scatter [tilespmem:s15], [sflag:$0x3], $0x1000, s12, s16, $0x38;
	[tilespmem:$0x10000] =	vst v63  }
0x1b4: {  	s0 =	sshll.u32 s25, $0x14  }
0x1b5: {  	s0 =	sadd.s32 s31, s0  }
0x1b6: {  	s0 =	sshrl.u32 s0, $0x3  }
0x1b7: {  	s28 =	simm.s32 $0x0;
	s0 =	sadd.s32 s1, s0  }
0x1b8: {  	[tilespmem:s28], [sflag:$0x1] =	stream.linear.gather [hbm4b:s0+s28], $0x4000, $0x38;
	[tilespmem:$0x10000] =	vst v63  }
0x1b9: {  	_ =	swait.ge [sflag:s17], $0x4000  }
0x1ba: {  	[sflag:s17] =	ssyncset.done $0x0  }
0x1bb: {  	[sflag:s17] =	ssyncadd.s32 $0xFFFFC000  }
0x1bc: {  	_ =	swait.ge [sflag:s23], $0x1000  }
0x1bd: {  	[sflag:s23] =	ssyncset.done $0x0  }
0x1be: {  	[sflag:s23] =	ssyncadd.s32 $0xFFFFF000  }
0x1bf: {  	_ =	swait.ge [sflag:s23], $0x1000  }
0x1c0: {  	[sflag:s23] =	ssyncset.done $0x0  }
0x1c1: {  	[sflag:s23] =	ssyncadd.s32 $0xFFFFF000  }
0x1c2: {  	_ =	swait.ge [sflag:s23], $0x1000  }
0x1c3: {  	[sflag:s23] =	ssyncset.done $0x0  }
0x1c4: {  	v2 =	vmov s28;
	[sflag:s23] =	ssyncadd.s32 $0xFFFFF000  }
0x1c5: {  	v2 =	vand.u32 $0x7E, v2;
	_ =	swait.ge [sflag:s23], $0x1000  }
0x1c6: {  	v2 =	vbroadcast v2, $0x0;
	[sflag:s23] =	ssyncset.done $0x0  }
0x1c7: {  	s28 =	simm.s32 $0x4080;
	[sflag:s23] =	ssyncadd.s32 $0xFFFFF000  }
0x1c8: {  	v4 =	vor.u32 v0, v2;
	v3 =	vld [tilespmem:s28+$0xFFFFFF80];
	_ =	sdelay $0x4  }
0x1c9: {  	[tilespmem:v4+s18+$0x0] =	vst.idx.msk $0xffff, v3  }
0x1ca: {  	v2 =	vor.u32 v1, v2;
	v3 =	vld [tilespmem:s28+$0xFFFFFF90];
	_ =	sdelay $0x4  }
0x1cb: {  	[tilespmem:v2+s18+$0x0] =	vst.idx.msk $0xffff, v3  }
0x1cc: {  	v3 =	vld [tilespmem:s28+$0xFFFFFFA0];
	_ =	sdelay $0x4  }
0x1cd: {  	[tilespmem:v4+s19+$0x0] =	vst.idx.msk $0xffff, v3  }
0x1ce: {  	v3 =	vld [tilespmem:s28+$0xFFFFFFB0];
	_ =	sdelay $0x4  }
0x1cf: {  	[tilespmem:v2+s19+$0x0] =	vst.idx.msk $0xffff, v3  }
0x1d0: {  	v3 =	vld [tilespmem:s28+$0xFFFFFFC0];
	_ =	sdelay $0x4  }
0x1d1: {  	[tilespmem:v4+s20+$0x0] =	vst.idx.msk $0xffff, v3  }
0x1d2: {  	v3 =	vld [tilespmem:s28+$0xFFFFFFD0];
	_ =	sdelay $0x4  }
0x1d3: {  	[tilespmem:v2+s20+$0x0] =	vst.idx.msk $0xffff, v3  }
0x1d4: {  	v3 =	vld [tilespmem:s28+$0xFFFFFFE0];
	_ =	sdelay $0x4  }
0x1d5: {  	[tilespmem:v4+s21+$0x0] =	vst.idx.msk $0xffff, v3  }
0x1d6: {  	v3 =	vld [tilespmem:s28+$0xFFFFFFF0]  }
0x1d7: {  	s0 =	simm.s32 $0x1  }
0x1d8: {  	v4 =	vmov s0  }
0x1d9: {  	v4 =	vand.u32 $0x7F, v4  }
0x1da: {  	v4 =	vbroadcast v4, $0x0  }
0x1db: {  	[tilespmem:v2+s21+$0x0] =	vst.idx.msk $0xffff, v3  }
0x1dc: {  	v3 =	vor.u32 v0, v4;
	v2 =	vld [tilespmem:s28+$0x0];
	_ =	sdelay $0x4  }
0x1dd: {  	[tilespmem:v3+s18+$0x0] =	vst.idx.msk $0xffff, v2  }
0x1de: {  	v2 =	vor.u32 v1, v4;
	v5 =	vld [tilespmem:s28+$0x10];
	_ =	sdelay $0x4  }
0x1df: {  	[tilespmem:v2+s18+$0x0] =	vst.idx.msk $0xffff, v5  }
0x1e0: {  	v4 =	vld [tilespmem:s28+$0x20];
	_ =	sdelay $0x4  }
0x1e1: {  	[tilespmem:v3+s19+$0x0] =	vst.idx.msk $0xffff, v4  }
0x1e2: {  	v4 =	vld [tilespmem:s28+$0x30];
	_ =	sdelay $0x4  }
0x1e3: {  	[tilespmem:v2+s19+$0x0] =	vst.idx.msk $0xffff, v4  }
0x1e4: {  	v4 =	vld [tilespmem:s28+$0x40];
	_ =	sdelay $0x4  }
0x1e5: {  	[tilespmem:v3+s20+$0x0] =	vst.idx.msk $0xffff, v4  }
0x1e6: {  	v4 =	vld [tilespmem:s28+$0x50];
	_ =	sdelay $0x4  }
0x1e7: {  	[tilespmem:v2+s20+$0x0] =	vst.idx.msk $0xffff, v4  }
0x1e8: {  	v4 =	vld [tilespmem:s28+$0x60];
	_ =	sdelay $0x4  }
0x1e9: {  	[tilespmem:v3+s21+$0x0] =	vst.idx.msk $0xffff, v4  }
0x1ea: {  	v3 =	vld [tilespmem:s28+$0x70]  }
0x1eb: {  	s29 =	simm.s32 $0x2  }
0x1ec: {  	s30 =	simm.s32 $0x4;
	v4 =	vmov s29  }
.LBB2_9:
0x1ed: {  	p0 =	slt.u32 s30, $0x7E;
	v4 =	vand.u32 $0x7E, v4  }
0x1ee: {  	v4 =	vbroadcast v4, $0x0  }
0x1ef: {  	s28 =	sadd.s32 $0x100, s28;
	[tilespmem:v2+s21+$0x0] =	vst.idx.msk $0xffff, v3  }
0x1f0: {  	v2 =	vld [tilespmem:s28+$0xFFFFFF80];
	v3 =	vor.u32 v0, v4;
	_ =	sdelay $0x4  }
0x1f1: {  	[tilespmem:v3+s18+$0x0] =	vst.idx.msk $0xffff, v2  }
0x1f2: {  	v4 =	vor.u32 v1, v4;
	v2 =	vld [tilespmem:s28+$0xFFFFFF90];
	_ =	sdelay $0x4  }
0x1f3: {  	[tilespmem:v4+s18+$0x0] =	vst.idx.msk $0xffff, v2  }
0x1f4: {  	v2 =	vld [tilespmem:s28+$0xFFFFFFA0];
	_ =	sdelay $0x4  }
0x1f5: {  	[tilespmem:v3+s19+$0x0] =	vst.idx.msk $0xffff, v2  }
0x1f6: {  	v2 =	vld [tilespmem:s28+$0xFFFFFFB0];
	_ =	sdelay $0x4  }
0x1f7: {  	[tilespmem:v4+s19+$0x0] =	vst.idx.msk $0xffff, v2  }
0x1f8: {  	v2 =	vld [tilespmem:s28+$0xFFFFFFC0];
	_ =	sdelay $0x4  }
0x1f9: {  	[tilespmem:v3+s20+$0x0] =	vst.idx.msk $0xffff, v2  }
0x1fa: {  	v2 =	vld [tilespmem:s28+$0xFFFFFFD0];
	_ =	sdelay $0x4  }
0x1fb: {  	[tilespmem:v4+s20+$0x0] =	vst.idx.msk $0xffff, v2  }
0x1fc: {  	v2 =	vld [tilespmem:s28+$0xFFFFFFE0];
	_ =	sdelay $0x4  }
0x1fd: {  	[tilespmem:v3+s21+$0x0] =	vst.idx.msk $0xffff, v2  }
0x1fe: {  	v2 =	vld [tilespmem:s28+$0xFFFFFFF0]  }
0x1ff: {  	s0 =	sadd.s32 $0x1, s29;
	s29 =	smov.u32 s30  }
0x200: {  	v3 =	vmov s0  }
0x201: {  	v3 =	vand.u32 $0x7F, v3  }
0x202: {  	v3 =	vbroadcast v3, $0x0  }
0x203: {  	[tilespmem:v4+s21+$0x0] =	vst.idx.msk $0xffff, v2  }
0x204: {  	v4 =	vor.u32 v0, v3;
	v2 =	vld [tilespmem:s28+$0x0];
	_ =	sdelay $0x4  }
0x205: {  	[tilespmem:v4+s18+$0x0] =	vst.idx.msk $0xffff, v2  }
0x206: {  	v2 =	vor.u32 v1, v3;
	v5 =	vld [tilespmem:s28+$0x10];
	_ =	sdelay $0x4  }
0x207: {  	[tilespmem:v2+s18+$0x0] =	vst.idx.msk $0xffff, v5  }
0x208: {  	v3 =	vld [tilespmem:s28+$0x20];
	_ =	sdelay $0x4  }
0x209: {  	[tilespmem:v4+s19+$0x0] =	vst.idx.msk $0xffff, v3  }
0x20a: {  	v3 =	vld [tilespmem:s28+$0x30];
	_ =	sdelay $0x4  }
0x20b: {  	[tilespmem:v2+s19+$0x0] =	vst.idx.msk $0xffff, v3  }
0x20c: {  	v3 =	vld [tilespmem:s28+$0x40];
	_ =	sdelay $0x4  }
0x20d: {  	[tilespmem:v4+s20+$0x0] =	vst.idx.msk $0xffff, v3  }
0x20e: {  	v3 =	vld [tilespmem:s28+$0x50];
	_ =	sdelay $0x4  }
0x20f: {  	[tilespmem:v2+s20+$0x0] =	vst.idx.msk $0xffff, v3  }
0x210: {  	v3 =	vld [tilespmem:s28+$0x60];
	_ =	sdelay $0x3  }
.Ltmp3:
0x211: {  	(pc) =	sbr.rel @p0 .LBB2_9-.Ltmp3, $3  }
0x212: {  	[tilespmem:v4+s21+$0x0] =	vst.idx.msk $0xffff, v3  }
0x213: {  	v3 =	vld [tilespmem:s28+$0x70];
	_ =	sdelay $0x1  }
0x214: {  	s30 =	sadd.s32 $0x2, s30;
	v4 =	vmov s29  }
0x215: {  	_ =	sdelay $0x1  }
0x216: {  	v4 =	vand.u32 $0x7E, v4  }
0x217: {  	v4 =	vbroadcast v4, $0x0  }
0x218: {  	s0 =	sadd.s32 $0x100, s28;
	[tilespmem:v2+s21+$0x0] =	vst.idx.msk $0xffff, v3  }
0x219: {  	v2 =	vld [tilespmem:s0+$0xFFFFFF80];
	v3 =	vor.u32 v0, v4;
	_ =	sdelay $0x4  }
0x21a: {  	[tilespmem:v3+s18+$0x0] =	vst.idx.msk $0xffff, v2  }
0x21b: {  	v4 =	vor.u32 v1, v4;
	v2 =	vld [tilespmem:s0+$0xFFFFFF90];
	_ =	sdelay $0x4  }
0x21c: {  	[tilespmem:v4+s18+$0x0] =	vst.idx.msk $0xffff, v2  }
0x21d: {  	v2 =	vld [tilespmem:s0+$0xFFFFFFA0];
	_ =	sdelay $0x4  }
0x21e: {  	[tilespmem:v3+s19+$0x0] =	vst.idx.msk $0xffff, v2  }
0x21f: {  	v2 =	vld [tilespmem:s0+$0xFFFFFFB0];
	_ =	sdelay $0x4  }
0x220: {  	[tilespmem:v4+s19+$0x0] =	vst.idx.msk $0xffff, v2  }
0x221: {  	v2 =	vld [tilespmem:s0+$0xFFFFFFC0];
	_ =	sdelay $0x4  }
0x222: {  	[tilespmem:v3+s20+$0x0] =	vst.idx.msk $0xffff, v2  }
0x223: {  	v2 =	vld [tilespmem:s0+$0xFFFFFFD0];
	_ =	sdelay $0x4  }
0x224: {  	[tilespmem:v4+s20+$0x0] =	vst.idx.msk $0xffff, v2  }
0x225: {  	v2 =	vld [tilespmem:s0+$0xFFFFFFE0];
	_ =	sdelay $0x4  }
0x226: {  	[tilespmem:v3+s21+$0x0] =	vst.idx.msk $0xffff, v2  }
0x227: {  	v2 =	vld [tilespmem:s0+$0xFFFFFFF0]  }
0x228: {  	s30 =	sadd.s32 $0x1, s29  }
0x229: {  	v3 =	vmov s30  }
0x22a: {  	v3 =	vand.u32 $0x7F, v3  }
0x22b: {  	v3 =	vbroadcast v3, $0x0  }
0x22c: {  	[tilespmem:v4+s21+$0x0] =	vst.idx.msk $0xffff, v2  }
0x22d: {  	v63 =	vor.u32 v0, v3;
	v2 =	vld [tilespmem:s0+$0x0];
	_ =	sdelay $0x4  }
0x22e: {  	[tilespmem:v63+s18+$0x0] =	vst.idx.msk $0xffff, v2  }
0x22f: {  	v3 =	vor.u32 v1, v3;
	v2 =	vld [tilespmem:s0+$0x10];
	_ =	sdelay $0x4  }
0x230: {  	[tilespmem:v3+s18+$0x0] =	vst.idx.msk $0xffff, v2  }
0x231: {  	v2 =	vld [tilespmem:s0+$0x20];
	_ =	sdelay $0x4  }
0x232: {  	[tilespmem:v63+s19+$0x0] =	vst.idx.msk $0xffff, v2  }
0x233: {  	v2 =	vld [tilespmem:s0+$0x30];
	_ =	sdelay $0x4  }
0x234: {  	[tilespmem:v3+s19+$0x0] =	vst.idx.msk $0xffff, v2  }
0x235: {  	v2 =	vld [tilespmem:s0+$0x40];
	_ =	sdelay $0x4  }
0x236: {  	[tilespmem:v63+s20+$0x0] =	vst.idx.msk $0xffff, v2  }
0x237: {  	v2 =	vld [tilespmem:s0+$0x50];
	_ =	sdelay $0x4  }
0x238: {  	[tilespmem:v3+s20+$0x0] =	vst.idx.msk $0xffff, v2  }
0x239: {  	v2 =	vld [tilespmem:s0+$0x60];
	_ =	sdelay $0x4  }
0x23a: {  	[tilespmem:v63+s21+$0x0] =	vst.idx.msk $0xffff, v2  }
0x23b: {  	v2 =	vld [tilespmem:s0+$0x70];
	_ =	sdelay $0x2  }
0x23c: {  	s26 =	sshll.u32 s26, $0xE  }
0x23d: {  	s0 =	sor.u32 s8, s26  }
0x23e: {  	s25 =	sadd.s32 $0x1, s25;
	s28 =	sadd.s32 s2, s0;
	[tilespmem:v3+s21+$0x0] =	vst.idx.msk $0xffff, v2  }
0x23f: {  	[hbm4b:s28+s16] =	stream.strided.scatter [tilespmem:s18], [sflag:$0x4], $0x1000, s12, s16, $0x38;
	[tilespmem:$0x10000] =	vst v63  }
0x240: {  	p0 =	sne.s32 s25, $0x18;
	s29 =	sadd.s32 s3, s0  }
0x241: {  	[hbm4b:s29+s16] =	stream.strided.scatter [tilespmem:s19], [sflag:$0x4], $0x1000, s12, s16, $0x38;
	[tilespmem:$0x10000] =	vst v63  }
.Ltmp4:
0x242: {  	_ = 	snop;
	(pc) =	sbr.rel @p0 .LBB2_6-.Ltmp4, $4  }
0x243: {  	s30 =	sadd.s32 s5, s0  }
0x244: {  	[hbm4b:s30+s16] =	stream.strided.scatter [tilespmem:s20], [sflag:$0x4], $0x1000, s12, s16, $0x38;
	[tilespmem:$0x10000] =	vst v63  }
0x245: {  	s0 =	sadd.s32 s6, s0  }
0x246: {  	[hbm4b:s0+s16] =	stream.strided.scatter [tilespmem:s21], [sflag:$0x4], $0x1000, s12, s16, $0x38;
	[tilespmem:$0x10000] =	vst v63  }
0x247: {  	s0 =	simm.s32 $0x0;
	s25 =	rddreg [dreg:$0x19]  }
0x248: {  	[tilespmem:s4], [sflag:$0x2] =	stream.linear.gather [hbm4b:s25+s0], $0x4000, $0x38;
	[tilespmem:$0x10000] =	vst v63  }
0x249: {  	_ =	swait.ge [sflag:s11], $0x4000  }
0x24a: {  	[sflag:s11] =	ssyncset.done $0x0  }
0x24b: {  	[sflag:s11] =	ssyncadd.s32 $0xFFFFC000  }
0x24c: {  	_ =	swait.ge [sflag:s22], $0x1000  }
0x24d: {  	[sflag:s22] =	ssyncset.done $0x0  }
0x24e: {  	[sflag:s22] =	ssyncadd.s32 $0xFFFFF000  }
0x24f: {  	_ =	swait.ge [sflag:s22], $0x1000  }
0x250: {  	[sflag:s22] =	ssyncset.done $0x0  }
0x251: {  	[sflag:s22] =	ssyncadd.s32 $0xFFFFF000  }
0x252: {  	_ =	swait.ge [sflag:s22], $0x1000  }
0x253: {  	[sflag:s22] =	ssyncset.done $0x0  }
0x254: {  	v2 =	vmov s0;
	[sflag:s22] =	ssyncadd.s32 $0xFFFFF000  }
0x255: {  	v2 =	vand.u32 $0x7E, v2;
	_ =	swait.ge [sflag:s22], $0x1000  }
0x256: {  	v2 =	vbroadcast v2, $0x0;
	[sflag:s22] =	ssyncset.done $0x0  }
0x257: {  	s25 =	simm.s32 $0x80;
	[sflag:s22] =	ssyncadd.s32 $0xFFFFF000  }
0x258: {  	v4 =	vor.u32 v0, v2;
	v3 =	vld [tilespmem:s25+$0xFFFFFF80];
	_ =	sdelay $0x4  }
0x259: {  	[tilespmem:v4+s12+$0x0] =	vst.idx.msk $0xffff, v3  }
0x25a: {  	v2 =	vor.u32 v1, v2;
	v3 =	vld [tilespmem:s25+$0xFFFFFF90];
	_ =	sdelay $0x4  }
0x25b: {  	[tilespmem:v2+s12+$0x0] =	vst.idx.msk $0xffff, v3  }
0x25c: {  	v3 =	vld [tilespmem:s25+$0xFFFFFFA0];
	_ =	sdelay $0x4  }
0x25d: {  	[tilespmem:v4+s13+$0x0] =	vst.idx.msk $0xffff, v3  }
0x25e: {  	v3 =	vld [tilespmem:s25+$0xFFFFFFB0];
	_ =	sdelay $0x4  }
0x25f: {  	[tilespmem:v2+s13+$0x0] =	vst.idx.msk $0xffff, v3  }
0x260: {  	v3 =	vld [tilespmem:s25+$0xFFFFFFC0];
	_ =	sdelay $0x4  }
0x261: {  	[tilespmem:v4+s14+$0x0] =	vst.idx.msk $0xffff, v3  }
0x262: {  	v3 =	vld [tilespmem:s25+$0xFFFFFFD0];
	_ =	sdelay $0x4  }
0x263: {  	[tilespmem:v2+s14+$0x0] =	vst.idx.msk $0xffff, v3  }
0x264: {  	v3 =	vld [tilespmem:s25+$0xFFFFFFE0];
	_ =	sdelay $0x4  }
0x265: {  	[tilespmem:v4+s15+$0x0] =	vst.idx.msk $0xffff, v3  }
0x266: {  	v3 =	vld [tilespmem:s25+$0xFFFFFFF0]  }
0x267: {  	s30 =	simm.s32 $0x1  }
0x268: {  	v4 =	vmov s30  }
0x269: {  	v4 =	vand.u32 $0x7F, v4  }
0x26a: {  	v4 =	vbroadcast v4, $0x0  }
0x26b: {  	[tilespmem:v2+s15+$0x0] =	vst.idx.msk $0xffff, v3  }
0x26c: {  	v3 =	vor.u32 v0, v4;
	v2 =	vld [tilespmem:s25+$0x0];
	_ =	sdelay $0x4  }
0x26d: {  	[tilespmem:v3+s12+$0x0] =	vst.idx.msk $0xffff, v2  }
0x26e: {  	v2 =	vor.u32 v1, v4;
	v5 =	vld [tilespmem:s25+$0x10];
	_ =	sdelay $0x4  }
0x26f: {  	[tilespmem:v2+s12+$0x0] =	vst.idx.msk $0xffff, v5  }
0x270: {  	v4 =	vld [tilespmem:s25+$0x20];
	_ =	sdelay $0x4  }
0x271: {  	[tilespmem:v3+s13+$0x0] =	vst.idx.msk $0xffff, v4  }
0x272: {  	v4 =	vld [tilespmem:s25+$0x30];
	_ =	sdelay $0x4  }
0x273: {  	[tilespmem:v2+s13+$0x0] =	vst.idx.msk $0xffff, v4  }
0x274: {  	v4 =	vld [tilespmem:s25+$0x40];
	_ =	sdelay $0x4  }
0x275: {  	[tilespmem:v3+s14+$0x0] =	vst.idx.msk $0xffff, v4  }
0x276: {  	v4 =	vld [tilespmem:s25+$0x50];
	_ =	sdelay $0x4  }
0x277: {  	[tilespmem:v2+s14+$0x0] =	vst.idx.msk $0xffff, v4  }
0x278: {  	v4 =	vld [tilespmem:s25+$0x60];
	_ =	sdelay $0x4  }
0x279: {  	[tilespmem:v3+s15+$0x0] =	vst.idx.msk $0xffff, v4  }
0x27a: {  	v3 =	vld [tilespmem:s25+$0x70]  }
0x27b: {  	s26 =	simm.s32 $0x2  }
0x27c: {  	s28 =	simm.s32 $0x4;
	v4 =	vmov s26  }
.LBB2_12:
0x27d: {  	p0 =	slt.u32 s28, $0x7E;
	v4 =	vand.u32 $0x7E, v4  }
0x27e: {  	v4 =	vbroadcast v4, $0x0  }
0x27f: {  	s25 =	sadd.s32 $0x100, s25;
	[tilespmem:v2+s15+$0x0] =	vst.idx.msk $0xffff, v3  }
0x280: {  	v2 =	vld [tilespmem:s25+$0xFFFFFF80];
	v3 =	vor.u32 v0, v4;
	_ =	sdelay $0x4  }
0x281: {  	[tilespmem:v3+s12+$0x0] =	vst.idx.msk $0xffff, v2  }
0x282: {  	v4 =	vor.u32 v1, v4;
	v2 =	vld [tilespmem:s25+$0xFFFFFF90];
	_ =	sdelay $0x4  }
0x283: {  	[tilespmem:v4+s12+$0x0] =	vst.idx.msk $0xffff, v2  }
0x284: {  	v2 =	vld [tilespmem:s25+$0xFFFFFFA0];
	_ =	sdelay $0x4  }
0x285: {  	[tilespmem:v3+s13+$0x0] =	vst.idx.msk $0xffff, v2  }
0x286: {  	v2 =	vld [tilespmem:s25+$0xFFFFFFB0];
	_ =	sdelay $0x4  }
0x287: {  	[tilespmem:v4+s13+$0x0] =	vst.idx.msk $0xffff, v2  }
0x288: {  	v2 =	vld [tilespmem:s25+$0xFFFFFFC0];
	_ =	sdelay $0x4  }
0x289: {  	[tilespmem:v3+s14+$0x0] =	vst.idx.msk $0xffff, v2  }
0x28a: {  	v2 =	vld [tilespmem:s25+$0xFFFFFFD0];
	_ =	sdelay $0x4  }
0x28b: {  	[tilespmem:v4+s14+$0x0] =	vst.idx.msk $0xffff, v2  }
0x28c: {  	v2 =	vld [tilespmem:s25+$0xFFFFFFE0];
	_ =	sdelay $0x4  }
0x28d: {  	[tilespmem:v3+s15+$0x0] =	vst.idx.msk $0xffff, v2  }
0x28e: {  	v2 =	vld [tilespmem:s25+$0xFFFFFFF0]  }
0x28f: {  	s0 =	sadd.s32 $0x1, s26;
	s26 =	smov.u32 s28  }
0x290: {  	v3 =	vmov s0  }
0x291: {  	v3 =	vand.u32 $0x7F, v3  }
0x292: {  	v3 =	vbroadcast v3, $0x0  }
0x293: {  	[tilespmem:v4+s15+$0x0] =	vst.idx.msk $0xffff, v2  }
0x294: {  	v4 =	vor.u32 v0, v3;
	v2 =	vld [tilespmem:s25+$0x0];
	_ =	sdelay $0x4  }
0x295: {  	[tilespmem:v4+s12+$0x0] =	vst.idx.msk $0xffff, v2  }
0x296: {  	v2 =	vor.u32 v1, v3;
	v5 =	vld [tilespmem:s25+$0x10];
	_ =	sdelay $0x4  }
0x297: {  	[tilespmem:v2+s12+$0x0] =	vst.idx.msk $0xffff, v5  }
0x298: {  	v3 =	vld [tilespmem:s25+$0x20];
	_ =	sdelay $0x4  }
0x299: {  	[tilespmem:v4+s13+$0x0] =	vst.idx.msk $0xffff, v3  }
0x29a: {  	v3 =	vld [tilespmem:s25+$0x30];
	_ =	sdelay $0x4  }
0x29b: {  	[tilespmem:v2+s13+$0x0] =	vst.idx.msk $0xffff, v3  }
0x29c: {  	v3 =	vld [tilespmem:s25+$0x40];
	_ =	sdelay $0x4  }
0x29d: {  	[tilespmem:v4+s14+$0x0] =	vst.idx.msk $0xffff, v3  }
0x29e: {  	v3 =	vld [tilespmem:s25+$0x50];
	_ =	sdelay $0x4  }
0x29f: {  	[tilespmem:v2+s14+$0x0] =	vst.idx.msk $0xffff, v3  }
0x2a0: {  	v3 =	vld [tilespmem:s25+$0x60];
	_ =	sdelay $0x3  }
.Ltmp5:
0x2a1: {  	(pc) =	sbr.rel @p0 .LBB2_12-.Ltmp5, $3  }
0x2a2: {  	[tilespmem:v4+s15+$0x0] =	vst.idx.msk $0xffff, v3  }
0x2a3: {  	v3 =	vld [tilespmem:s25+$0x70];
	_ =	sdelay $0x1  }
0x2a4: {  	s28 =	sadd.s32 $0x2, s28;
	v4 =	vmov s26  }
0x2a5: {  	_ =	sdelay $0x1  }
0x2a6: {  	v4 =	vand.u32 $0x7E, v4  }
0x2a7: {  	v4 =	vbroadcast v4, $0x0  }
0x2a8: {  	s0 =	sadd.s32 $0x100, s25;
	[tilespmem:v2+s15+$0x0] =	vst.idx.msk $0xffff, v3  }
0x2a9: {  	v2 =	vld [tilespmem:s0+$0xFFFFFF80];
	v3 =	vor.u32 v0, v4;
	_ =	sdelay $0x4  }
0x2aa: {  	[tilespmem:v3+s12+$0x0] =	vst.idx.msk $0xffff, v2  }
0x2ab: {  	v4 =	vor.u32 v1, v4;
	v2 =	vld [tilespmem:s0+$0xFFFFFF90];
	_ =	sdelay $0x4  }
0x2ac: {  	[tilespmem:v4+s12+$0x0] =	vst.idx.msk $0xffff, v2  }
0x2ad: {  	v2 =	vld [tilespmem:s0+$0xFFFFFFA0];
	_ =	sdelay $0x4  }
0x2ae: {  	[tilespmem:v3+s13+$0x0] =	vst.idx.msk $0xffff, v2  }
0x2af: {  	v2 =	vld [tilespmem:s0+$0xFFFFFFB0];
	_ =	sdelay $0x4  }
0x2b0: {  	[tilespmem:v4+s13+$0x0] =	vst.idx.msk $0xffff, v2  }
0x2b1: {  	v2 =	vld [tilespmem:s0+$0xFFFFFFC0];
	_ =	sdelay $0x4  }
0x2b2: {  	[tilespmem:v3+s14+$0x0] =	vst.idx.msk $0xffff, v2  }
0x2b3: {  	v2 =	vld [tilespmem:s0+$0xFFFFFFD0];
	_ =	sdelay $0x4  }
0x2b4: {  	[tilespmem:v4+s14+$0x0] =	vst.idx.msk $0xffff, v2  }
0x2b5: {  	v2 =	vld [tilespmem:s0+$0xFFFFFFE0];
	_ =	sdelay $0x4  }
0x2b6: {  	[tilespmem:v3+s15+$0x0] =	vst.idx.msk $0xffff, v2  }
0x2b7: {  	v2 =	vld [tilespmem:s0+$0xFFFFFFF0]  }
0x2b8: {  	s26 =	sadd.s32 $0x1, s26  }
0x2b9: {  	v3 =	vmov s26  }
0x2ba: {  	v3 =	vand.u32 $0x7F, v3  }
0x2bb: {  	v3 =	vbroadcast v3, $0x0  }
0x2bc: {  	[tilespmem:v4+s15+$0x0] =	vst.idx.msk $0xffff, v2  }
0x2bd: {  	v4 =	vor.u32 v0, v3;
	v2 =	vld [tilespmem:s0+$0x0];
	_ =	sdelay $0x4  }
0x2be: {  	[tilespmem:v4+s12+$0x0] =	vst.idx.msk $0xffff, v2  }
0x2bf: {  	v3 =	vor.u32 v1, v3;
	v2 =	vld [tilespmem:s0+$0x10];
	_ =	sdelay $0x4  }
0x2c0: {  	[tilespmem:v3+s12+$0x0] =	vst.idx.msk $0xffff, v2  }
0x2c1: {  	v2 =	vld [tilespmem:s0+$0x20];
	_ =	sdelay $0x4  }
0x2c2: {  	[tilespmem:v4+s13+$0x0] =	vst.idx.msk $0xffff, v2  }
0x2c3: {  	v2 =	vld [tilespmem:s0+$0x30];
	_ =	sdelay $0x4  }
0x2c4: {  	[tilespmem:v3+s13+$0x0] =	vst.idx.msk $0xffff, v2  }
0x2c5: {  	v2 =	vld [tilespmem:s0+$0x40];
	_ =	sdelay $0x4  }
0x2c6: {  	[tilespmem:v4+s14+$0x0] =	vst.idx.msk $0xffff, v2  }
0x2c7: {  	v2 =	vld [tilespmem:s0+$0x50];
	_ =	sdelay $0x4  }
0x2c8: {  	[tilespmem:v3+s14+$0x0] =	vst.idx.msk $0xffff, v2  }
0x2c9: {  	v2 =	vld [tilespmem:s0+$0x60];
	_ =	sdelay $0x4  }
0x2ca: {  	[tilespmem:v4+s15+$0x0] =	vst.idx.msk $0xffff, v2  }
0x2cb: {  	v2 =	vld [tilespmem:s0+$0x70];
	_ =	sdelay $0x4  }
0x2cc: {  	s29 =	rddreg [dreg:$0xc];
	[tilespmem:v3+s15+$0x0] =	vst.idx.msk $0xffff, v2  }
0x2cd: {  	[hbm4b:s29+s16] =	stream.strided.scatter [tilespmem:s12], [sflag:$0x3], $0x1000, s12, s16, $0x38;
	[tilespmem:$0x10000] =	vst v63  }
0x2ce: {  	s30 =	rddreg [dreg:$0xd]  }
0x2cf: {  	[hbm4b:s30+s16] =	stream.strided.scatter [tilespmem:s13], [sflag:$0x3], $0x1000, s12, s16, $0x38;
	[tilespmem:$0x10000] =	vst v63  }
0x2d0: {  	s25 =	rddreg [dreg:$0xe]  }
0x2d1: {  	[hbm4b:s25+s16] =	stream.strided.scatter [tilespmem:s14], [sflag:$0x3], $0x1000, s12, s16, $0x38;
	[tilespmem:$0x10000] =	vst v63  }
0x2d2: {  	s26 =	rddreg [dreg:$0xf]  }
0x2d3: {  	[hbm4b:s26+s16] =	stream.strided.scatter [tilespmem:s15], [sflag:$0x3], $0x1000, s12, s16, $0x38;
	[tilespmem:$0x10000] =	vst v63  }
0x2d4: {  	_ =	swait.ge [sflag:s17], $0x4000  }
0x2d5: {  	[sflag:s17] =	ssyncset.done $0x0  }
0x2d6: {  	[sflag:s17] =	ssyncadd.s32 $0xFFFFC000  }
0x2d7: {  	_ =	swait.ge [sflag:s23], $0x1000  }
0x2d8: {  	[sflag:s23] =	ssyncset.done $0x0  }
0x2d9: {  	[sflag:s23] =	ssyncadd.s32 $0xFFFFF000  }
0x2da: {  	_ =	swait.ge [sflag:s23], $0x1000  }
0x2db: {  	[sflag:s23] =	ssyncset.done $0x0  }
0x2dc: {  	[sflag:s23] =	ssyncadd.s32 $0xFFFFF000  }
0x2dd: {  	_ =	swait.ge [sflag:s23], $0x1000  }
0x2de: {  	s29 =	simm.s32 $0x0;
	[sflag:s23] =	ssyncset.done $0x0  }
0x2df: {  	v2 =	vmov s29;
	[sflag:s23] =	ssyncadd.s32 $0xFFFFF000  }
0x2e0: {  	v2 =	vand.u32 $0x7E, v2;
	_ =	swait.ge [sflag:s23], $0x1000  }
0x2e1: {  	v2 =	vbroadcast v2, $0x0;
	[sflag:s23] =	ssyncset.done $0x0  }
0x2e2: {  	s25 =	simm.s32 $0x4080;
	[sflag:s23] =	ssyncadd.s32 $0xFFFFF000  }
0x2e3: {  	v4 =	vor.u32 v0, v2;
	v3 =	vld [tilespmem:s25+$0xFFFFFF80];
	_ =	sdelay $0x4  }
0x2e4: {  	[tilespmem:v4+s18+$0x0] =	vst.idx.msk $0xffff, v3  }
0x2e5: {  	v2 =	vor.u32 v1, v2;
	v3 =	vld [tilespmem:s25+$0xFFFFFF90];
	_ =	sdelay $0x4  }
0x2e6: {  	[tilespmem:v2+s18+$0x0] =	vst.idx.msk $0xffff, v3  }
0x2e7: {  	v3 =	vld [tilespmem:s25+$0xFFFFFFA0];
	_ =	sdelay $0x4  }
0x2e8: {  	[tilespmem:v4+s19+$0x0] =	vst.idx.msk $0xffff, v3  }
0x2e9: {  	v3 =	vld [tilespmem:s25+$0xFFFFFFB0];
	_ =	sdelay $0x4  }
0x2ea: {  	[tilespmem:v2+s19+$0x0] =	vst.idx.msk $0xffff, v3  }
0x2eb: {  	v3 =	vld [tilespmem:s25+$0xFFFFFFC0];
	_ =	sdelay $0x4  }
0x2ec: {  	[tilespmem:v4+s20+$0x0] =	vst.idx.msk $0xffff, v3  }
0x2ed: {  	v3 =	vld [tilespmem:s25+$0xFFFFFFD0];
	_ =	sdelay $0x4  }
0x2ee: {  	[tilespmem:v2+s20+$0x0] =	vst.idx.msk $0xffff, v3  }
0x2ef: {  	v3 =	vld [tilespmem:s25+$0xFFFFFFE0];
	_ =	sdelay $0x4  }
0x2f0: {  	[tilespmem:v4+s21+$0x0] =	vst.idx.msk $0xffff, v3  }
0x2f1: {  	v3 =	vld [tilespmem:s25+$0xFFFFFFF0]  }
0x2f2: {  	s30 =	simm.s32 $0x1  }
0x2f3: {  	v4 =	vmov s30  }
0x2f4: {  	v4 =	vand.u32 $0x7F, v4  }
0x2f5: {  	v4 =	vbroadcast v4, $0x0  }
0x2f6: {  	[tilespmem:v2+s21+$0x0] =	vst.idx.msk $0xffff, v3  }
0x2f7: {  	v3 =	vor.u32 v0, v4;
	v2 =	vld [tilespmem:s25+$0x0];
	_ =	sdelay $0x4  }
0x2f8: {  	[tilespmem:v3+s18+$0x0] =	vst.idx.msk $0xffff, v2  }
0x2f9: {  	v2 =	vor.u32 v1, v4;
	v5 =	vld [tilespmem:s25+$0x10];
	_ =	sdelay $0x4  }
0x2fa: {  	[tilespmem:v2+s18+$0x0] =	vst.idx.msk $0xffff, v5  }
0x2fb: {  	v4 =	vld [tilespmem:s25+$0x20];
	_ =	sdelay $0x4  }
0x2fc: {  	[tilespmem:v3+s19+$0x0] =	vst.idx.msk $0xffff, v4  }
0x2fd: {  	v4 =	vld [tilespmem:s25+$0x30];
	_ =	sdelay $0x4  }
0x2fe: {  	[tilespmem:v2+s19+$0x0] =	vst.idx.msk $0xffff, v4  }
0x2ff: {  	v4 =	vld [tilespmem:s25+$0x40];
	_ =	sdelay $0x4  }
0x300: {  	[tilespmem:v3+s20+$0x0] =	vst.idx.msk $0xffff, v4  }
0x301: {  	v4 =	vld [tilespmem:s25+$0x50];
	_ =	sdelay $0x4  }
0x302: {  	[tilespmem:v2+s20+$0x0] =	vst.idx.msk $0xffff, v4  }
0x303: {  	v4 =	vld [tilespmem:s25+$0x60];
	_ =	sdelay $0x4  }
0x304: {  	[tilespmem:v3+s21+$0x0] =	vst.idx.msk $0xffff, v4  }
0x305: {  	v3 =	vld [tilespmem:s25+$0x70]  }
0x306: {  	s26 =	simm.s32 $0x2  }
0x307: {  	s28 =	simm.s32 $0x4;
	v4 =	vmov s26  }
.LBB2_14:
0x308: {  	p0 =	slt.u32 s28, $0x7E;
	v4 =	vand.u32 $0x7E, v4  }
0x309: {  	v4 =	vbroadcast v4, $0x0  }
0x30a: {  	s25 =	sadd.s32 $0x100, s25;
	[tilespmem:v2+s21+$0x0] =	vst.idx.msk $0xffff, v3  }
0x30b: {  	v2 =	vld [tilespmem:s25+$0xFFFFFF80];
	v3 =	vor.u32 v0, v4;
	_ =	sdelay $0x4  }
0x30c: {  	[tilespmem:v3+s18+$0x0] =	vst.idx.msk $0xffff, v2  }
0x30d: {  	v4 =	vor.u32 v1, v4;
	v2 =	vld [tilespmem:s25+$0xFFFFFF90];
	_ =	sdelay $0x4  }
0x30e: {  	[tilespmem:v4+s18+$0x0] =	vst.idx.msk $0xffff, v2  }
0x30f: {  	v2 =	vld [tilespmem:s25+$0xFFFFFFA0];
	_ =	sdelay $0x4  }
0x310: {  	[tilespmem:v3+s19+$0x0] =	vst.idx.msk $0xffff, v2  }
0x311: {  	v2 =	vld [tilespmem:s25+$0xFFFFFFB0];
	_ =	sdelay $0x4  }
0x312: {  	[tilespmem:v4+s19+$0x0] =	vst.idx.msk $0xffff, v2  }
0x313: {  	v2 =	vld [tilespmem:s25+$0xFFFFFFC0];
	_ =	sdelay $0x4  }
0x314: {  	[tilespmem:v3+s20+$0x0] =	vst.idx.msk $0xffff, v2  }
0x315: {  	v2 =	vld [tilespmem:s25+$0xFFFFFFD0];
	_ =	sdelay $0x4  }
0x316: {  	[tilespmem:v4+s20+$0x0] =	vst.idx.msk $0xffff, v2  }
0x317: {  	v2 =	vld [tilespmem:s25+$0xFFFFFFE0];
	_ =	sdelay $0x4  }
0x318: {  	[tilespmem:v3+s21+$0x0] =	vst.idx.msk $0xffff, v2  }
0x319: {  	v2 =	vld [tilespmem:s25+$0xFFFFFFF0]  }
0x31a: {  	s0 =	sadd.s32 $0x1, s26;
	s26 =	smov.u32 s28  }
0x31b: {  	v3 =	vmov s0  }
0x31c: {  	v3 =	vand.u32 $0x7F, v3  }
0x31d: {  	v3 =	vbroadcast v3, $0x0  }
0x31e: {  	[tilespmem:v4+s21+$0x0] =	vst.idx.msk $0xffff, v2  }
0x31f: {  	v4 =	vor.u32 v0, v3;
	v2 =	vld [tilespmem:s25+$0x0];
	_ =	sdelay $0x4  }
0x320: {  	[tilespmem:v4+s18+$0x0] =	vst.idx.msk $0xffff, v2  }
0x321: {  	v2 =	vor.u32 v1, v3;
	v5 =	vld [tilespmem:s25+$0x10];
	_ =	sdelay $0x4  }
0x322: {  	[tilespmem:v2+s18+$0x0] =	vst.idx.msk $0xffff, v5  }
0x323: {  	v3 =	vld [tilespmem:s25+$0x20];
	_ =	sdelay $0x4  }
0x324: {  	[tilespmem:v4+s19+$0x0] =	vst.idx.msk $0xffff, v3  }
0x325: {  	v3 =	vld [tilespmem:s25+$0x30];
	_ =	sdelay $0x4  }
0x326: {  	[tilespmem:v2+s19+$0x0] =	vst.idx.msk $0xffff, v3  }
0x327: {  	v3 =	vld [tilespmem:s25+$0x40];
	_ =	sdelay $0x4  }
0x328: {  	[tilespmem:v4+s20+$0x0] =	vst.idx.msk $0xffff, v3  }
0x329: {  	v3 =	vld [tilespmem:s25+$0x50];
	_ =	sdelay $0x4  }
0x32a: {  	[tilespmem:v2+s20+$0x0] =	vst.idx.msk $0xffff, v3  }
0x32b: {  	v3 =	vld [tilespmem:s25+$0x60];
	_ =	sdelay $0x3  }
.Ltmp6:
0x32c: {  	(pc) =	sbr.rel @p0 .LBB2_14-.Ltmp6, $3  }
0x32d: {  	[tilespmem:v4+s21+$0x0] =	vst.idx.msk $0xffff, v3  }
0x32e: {  	v3 =	vld [tilespmem:s25+$0x70];
	_ =	sdelay $0x1  }
0x32f: {  	s28 =	sadd.s32 $0x2, s28;
	v4 =	vmov s26  }
0x330: {  	_ =	sdelay $0x1  }
0x331: {  	v4 =	vand.u32 $0x7E, v4  }
0x332: {  	v4 =	vbroadcast v4, $0x0  }
0x333: {  	s0 =	sadd.s32 $0x100, s25;
	[tilespmem:v2+s21+$0x0] =	vst.idx.msk $0xffff, v3  }
0x334: {  	v2 =	vld [tilespmem:s0+$0xFFFFFF80];
	v3 =	vor.u32 v0, v4;
	_ =	sdelay $0x4  }
0x335: {  	[tilespmem:v3+s18+$0x0] =	vst.idx.msk $0xffff, v2  }
0x336: {  	v4 =	vor.u32 v1, v4;
	v2 =	vld [tilespmem:s0+$0xFFFFFF90];
	_ =	sdelay $0x4  }
0x337: {  	[tilespmem:v4+s18+$0x0] =	vst.idx.msk $0xffff, v2  }
0x338: {  	v2 =	vld [tilespmem:s0+$0xFFFFFFA0];
	_ =	sdelay $0x4  }
0x339: {  	[tilespmem:v3+s19+$0x0] =	vst.idx.msk $0xffff, v2  }
0x33a: {  	v2 =	vld [tilespmem:s0+$0xFFFFFFB0];
	_ =	sdelay $0x4  }
0x33b: {  	[tilespmem:v4+s19+$0x0] =	vst.idx.msk $0xffff, v2  }
0x33c: {  	v2 =	vld [tilespmem:s0+$0xFFFFFFC0];
	_ =	sdelay $0x4  }
0x33d: {  	[tilespmem:v3+s20+$0x0] =	vst.idx.msk $0xffff, v2  }
0x33e: {  	v2 =	vld [tilespmem:s0+$0xFFFFFFD0];
	_ =	sdelay $0x4  }
0x33f: {  	[tilespmem:v4+s20+$0x0] =	vst.idx.msk $0xffff, v2  }
0x340: {  	v2 =	vld [tilespmem:s0+$0xFFFFFFE0];
	_ =	sdelay $0x4  }
0x341: {  	[tilespmem:v3+s21+$0x0] =	vst.idx.msk $0xffff, v2  }
0x342: {  	v2 =	vld [tilespmem:s0+$0xFFFFFFF0]  }
0x343: {  	s30 =	sadd.s32 $0x1, s26  }
0x344: {  	v3 =	vmov s30  }
0x345: {  	v3 =	vand.u32 $0x7F, v3  }
0x346: {  	v3 =	vbroadcast v3, $0x0  }
0x347: {  	[tilespmem:v4+s21+$0x0] =	vst.idx.msk $0xffff, v2  }
0x348: {  	v63 =	vor.u32 v0, v3;
	v2 =	vld [tilespmem:s0+$0x0];
	_ =	sdelay $0x4  }
0x349: {  	[tilespmem:v63+s18+$0x0] =	vst.idx.msk $0xffff, v2  }
0x34a: {  	v3 =	vor.u32 v1, v3;
	v2 =	vld [tilespmem:s0+$0x10];
	_ =	sdelay $0x4  }
0x34b: {  	[tilespmem:v3+s18+$0x0] =	vst.idx.msk $0xffff, v2  }
0x34c: {  	v2 =	vld [tilespmem:s0+$0x20];
	_ =	sdelay $0x4  }
0x34d: {  	[tilespmem:v63+s19+$0x0] =	vst.idx.msk $0xffff, v2  }
0x34e: {  	v2 =	vld [tilespmem:s0+$0x30];
	_ =	sdelay $0x4  }
0x34f: {  	[tilespmem:v3+s19+$0x0] =	vst.idx.msk $0xffff, v2  }
0x350: {  	v2 =	vld [tilespmem:s0+$0x40];
	_ =	sdelay $0x4  }
0x351: {  	[tilespmem:v63+s20+$0x0] =	vst.idx.msk $0xffff, v2  }
0x352: {  	v2 =	vld [tilespmem:s0+$0x50];
	_ =	sdelay $0x4  }
0x353: {  	[tilespmem:v3+s20+$0x0] =	vst.idx.msk $0xffff, v2  }
0x354: {  	v2 =	vld [tilespmem:s0+$0x60];
	_ =	sdelay $0x4  }
0x355: {  	[tilespmem:v63+s21+$0x0] =	vst.idx.msk $0xffff, v2  }
0x356: {  	v2 =	vld [tilespmem:s0+$0x70];
	_ =	sdelay $0x4  }
0x357: {  	s25 =	rddreg [dreg:$0x10];
	[tilespmem:v3+s21+$0x0] =	vst.idx.msk $0xffff, v2  }
0x358: {  	[hbm4b:s25+s16] =	stream.strided.scatter [tilespmem:s18], [sflag:$0x4], $0x1000, s12, s16, $0x38;
	[tilespmem:$0x10000] =	vst v63  }
0x359: {  	s26 =	rddreg [dreg:$0x11]  }
0x35a: {  	[hbm4b:s26+s16] =	stream.strided.scatter [tilespmem:s19], [sflag:$0x4], $0x1000, s12, s16, $0x38;
	[tilespmem:$0x10000] =	vst v63  }
0x35b: {  	s28 =	rddreg [dreg:$0x12]  }
0x35c: {  	[hbm4b:s28+s16] =	stream.strided.scatter [tilespmem:s20], [sflag:$0x4], $0x1000, s12, s16, $0x38;
	[tilespmem:$0x10000] =	vst v63  }
0x35d: {  	s29 =	rddreg [dreg:$0x13]  }
0x35e: {  	[hbm4b:s29+s16] =	stream.strided.scatter [tilespmem:s21], [sflag:$0x4], $0x1000, s12, s16, $0x38;
	[tilespmem:$0x10000] =	vst v63  }
0x35f: {  	_ =	swait.ge [sflag:s22], $0x1000  }
0x360: {  	[sflag:s22] =	ssyncset.done $0x0  }
0x361: {  	[sflag:s22] =	ssyncadd.s32 $0xFFFFF000  }
0x362: {  	_ =	swait.ge [sflag:s23], $0x1000  }
0x363: {  	[sflag:s23] =	ssyncset.done $0x0  }
0x364: {  	[sflag:s23] =	ssyncadd.s32 $0xFFFFF000  }
0x365: {  	_ =	swait.ge [sflag:s22], $0x1000  }
0x366: {  	[sflag:s22] =	ssyncset.done $0x0  }
0x367: {  	[sflag:s22] =	ssyncadd.s32 $0xFFFFF000  }
0x368: {  	_ =	swait.ge [sflag:s23], $0x1000  }
0x369: {  	[sflag:s23] =	ssyncset.done $0x0  }
0x36a: {  	[sflag:s23] =	ssyncadd.s32 $0xFFFFF000  }
0x36b: {  	_ =	swait.ge [sflag:s22], $0x1000  }
0x36c: {  	[sflag:s22] =	ssyncset.done $0x0  }
0x36d: {  	[sflag:s22] =	ssyncadd.s32 $0xFFFFF000  }
0x36e: {  	_ =	swait.ge [sflag:s23], $0x1000  }
0x36f: {  	[sflag:s23] =	ssyncset.done $0x0  }
0x370: {  	[sflag:s23] =	ssyncadd.s32 $0xFFFFF000  }
0x371: {  	_ =	swait.ge [sflag:s22], $0x1000  }
0x372: {  	[sflag:s22] =	ssyncset.done $0x0  }
0x373: {  	[sflag:s22] =	ssyncadd.s32 $0xFFFFF000  }
0x374: {  	_ =	swait.ge [sflag:s23], $0x1000  }
0x375: {  	s24 =	sadd.s32 $0x1, s24;
	s30 =	rddreg [dreg:$0x14]  }
0x376: {  	p0 =	sne.s32 s24, s30  }
.Ltmp7:
0x377: {  	_ = 	snop;
	(pc) =	sbr.rel @p0 .LBB2_1-.Ltmp7, $3  }
0x378: {  	_ =	sdelay $0x1  }
0x379: {  	[sflag:s23] =	ssyncset.done $0x0  }
0x37a: {  	[sflag:s23] =	ssyncadd.s32 $0xFFFFF000  }
0x37b: {  	_ =	sfence.sel $0x180000  }
0x37c: {  	[bflag:$0x0] =	sbarrier.arrive $0xFFFF  }
0x37d: {  	_ =	strace $0x90000047  }
0x37e: {  	s0 =	stileid.u32;
	[bflag:$0x2] =	sbarrier.arrive $0xFFFF  }
0x37f: {  	p0 =	sne.s32 s0, $0x0;
	s0 =	rddreg [dreg:$0x5]  }
0x380: {  	s0 =	sadd.s32 @!p0 $0x100000, s0  }
0x381: {  	[sflag:s0] =	ssyncadd.tile.s32 @!p0 $0x1;
	_ =	shalt  }
.Lfunc_end2:
_tile_overlayer_lowered:
.L_overlay_start_2:
0x382: {  	(tag) =	ssettag $0x2  }
0x383: {  	s0 =	rddreg [dreg:$0x0];
	s2 =	stileid.u32  }
0x384: {  	s1 =	rddreg [dreg:$0x1];
	p0 =	sne.s32 s2, $0x0  }
0x385: {  	s3 =	rddreg [dreg:$0x2];
	[bflag:$0x3] =	sbarrier.arrive $0xFFFF;
	s2 =	simm.s32 @!p0 $0x1C05  }
0x386: {  	[timem:s3], [sflag:s2] =	dma.local @!p0 [hbm:s0], s1  }
0x387: {  	s0 =	simm.s32 @!p0 $0x5  }
0x388: {  	_ =	swait.ge @!p0 [sflag:s0], s1  }
0x389: {  	s1 =	ssub.s32 @!p0 $0x0, s1;
	[sflag:s0] =	ssyncset.done @!p0 $0x0  }
0x38a: {  	[sflag:s0] =	ssyncadd.s32 @!p0 s1  }
0x38b: {  	[bflag:$0x3] =	sbarrier.arrive $0xFFFF  }
0x38c: {  	_ =	shalt  }

</sc_bundles>
